<compile_context>
chip_gen: v7x
topology: tpu7x:2x2x1
jax: 0.10.2.dev20260603
libtpu: 0.0.44.dev20260713+nightly
codegen_flags: <defaults>
</compile_context>

<pallas_src>
import functools

import jax
import jax.numpy as jnp
from jax import lax
from jax.experimental import pallas as pl
from jax.experimental.pallas import tpu as pltpu
from jax.experimental.pallas import tpu_sc as plsc

N_NODES_C = 100000
N_IN_C = 1024
K_C = 8
N_OUT_C = 128
BATCH_C = 32

N_RES = N_NODES_C - N_IN_C
NODE_BLK = 512
N_GRID = (N_RES + NODE_BLK - 1) // NODE_BLK
N_PAD = N_GRID * NODE_BLK
IDX_TOTAL = K_C * N_PAD
NUM_TILES = 32
IDX_PER_TILE = IDX_TOTAL // NUM_TILES
IDX_CHUNK = 6208
N_CHUNKS = IDX_PER_TILE // IDX_CHUNK


def _pack_states_body(s_ref, o_ref):
    s = s_ref[...]
    shifts = lax.broadcasted_iota(jnp.int32, (BATCH_C, 1), 0)
    o_ref[...] = jnp.sum(jnp.left_shift(s, shifts), axis=0, keepdims=True)


def _pack_states(states):
    blk = 4096
    grid = (N_NODES_C + blk - 1) // blk
    return pl.pallas_call(
        _pack_states_body,
        grid=(grid,),
        in_specs=[pl.BlockSpec((BATCH_C, blk), lambda i: (0, i))],
        out_specs=pl.BlockSpec((1, blk), lambda i: (0, i)),
        out_shape=jax.ShapeDtypeStruct((1, N_NODES_C), jnp.int32),
    )(states)


def _pack_lut_body(l_ref, o_ref):
    lut_blk = l_ref[...]
    jrow = lax.broadcasted_iota(jnp.int32, (1, 32), 1)
    for w in range(8):
        sl = lut_blk[:, w * 32:(w + 1) * 32]
        word = jnp.sum(jnp.left_shift(sl, jrow), axis=1, keepdims=True)
        o_ref[:, w:w + 1] = word


def _pack_lut(lut):
    blk = 2048
    grid = (N_NODES_C + blk - 1) // blk
    return pl.pallas_call(
        _pack_lut_body,
        grid=(grid,),
        in_specs=[pl.BlockSpec((blk, 256), lambda i: (i, 0))],
        out_specs=pl.BlockSpec((blk, 8), lambda i: (i, 0)),
        out_shape=jax.ShapeDtypeStruct((N_NODES_C, 8), jnp.int32),
    )(lut)


def _sc_gather(ps_flat, idx_flat):
    mesh = plsc.VectorSubcoreMesh(core_axis_name="c", subcore_axis_name="s")

    @functools.partial(
        pl.kernel,
        mesh=mesh,
        out_type=jax.ShapeDtypeStruct((IDX_TOTAL,), jnp.int32),
        scratch_types=[
            pltpu.VMEM((N_NODES_C,), jnp.int32),
            pltpu.VMEM((IDX_CHUNK,), jnp.int32),
            pltpu.VMEM((IDX_CHUNK,), jnp.int32),
        ],
        compiler_params=pltpu.CompilerParams(needs_layout_passes=False),
    )
    def k(ps_hbm, idx_hbm, out_hbm, table_v, idx_v, out_v):
        wid = lax.axis_index("s") * 2 + lax.axis_index("c")
        base = wid * IDX_PER_TILE
        pltpu.sync_copy(ps_hbm, table_v)

        def chunk_body(ci, _):
            off = base + ci * IDX_CHUNK
            pltpu.sync_copy(idx_hbm.at[pl.ds(off, IDX_CHUNK)], idx_v)

            def gather_body(t, __):
                iv = idx_v[pl.ds(t * 16, 16)]
                out_v[pl.ds(t * 16, 16)] = plsc.load_gather(table_v, [iv])
                return __

            lax.fori_loop(0, IDX_CHUNK // 16, gather_body, 0)
            pltpu.sync_copy(out_v, out_hbm.at[pl.ds(off, IDX_CHUNK)])
            return _

        lax.fori_loop(0, N_CHUNKS, chunk_body, 0)

    return k(ps_flat, idx_flat)


def _update_readout_body(g_ref, m_ref, lp_ref, ps_ref, w_ref, b_ref, o_ref):
    i = pl.program_id(0)
    nvalid = N_RES - i * NODE_BLK
    lane = lax.broadcasted_iota(jnp.int32, (1, NODE_BLK), 1)
    valid = lane < nvalid

    k_iota = lax.broadcasted_iota(jnp.int32, (K_C, 1), 0)
    pow2 = jnp.int32(128) >> k_iota
    w_iota = lax.broadcasted_iota(jnp.int32, (8, 1), 0)

    g = g_ref[...] * m_ref[...]
    lp = lp_ref[...]
    ps = ps_ref[...]
    nb0 = jnp.sum(m_ref[...], axis=0, keepdims=True) == 0

    rows = []
    for b in range(BATCH_C):
        bits = lax.shift_right_logical(g, b) & 1
        idx = jnp.sum(bits * pow2, axis=0, keepdims=True)
        wsel = idx >> 5
        eq = (jnp.broadcast_to(wsel, (8, NODE_BLK)) == w_iota).astype(jnp.int32)
        lutw = jnp.sum(lp * eq, axis=0, keepdims=True)
        bit = lax.shift_right_logical(lutw, idx & 31) & 1
        old = lax.shift_right_logical(ps, b) & 1
        rows.append(jnp.where(nb0, old, bit))
    res = jnp.concatenate(rows, axis=0).astype(jnp.float32)

    sub = lax.broadcasted_iota(jnp.int32, (NODE_BLK, 1), 0)
    wblk = jnp.where(sub < nvalid, w_ref[...], 0.0)
    res = jnp.where(valid, res, 0.0)

    @pl.when(i == 0)
    def _init():
        o_ref[...] = jnp.zeros_like(o_ref)

    o_ref[...] += jnp.dot(res, wblk, preferred_element_type=jnp.float32,
                          precision=lax.Precision.HIGHEST)

    @pl.when(i == N_GRID - 1)
    def _fin():
        o_ref[...] = jax.nn.sigmoid(o_ref[...] + b_ref[...])


def _update_readout(g, mask_t, lutp_t, ps_r, W, bias):
    return pl.pallas_call(
        _update_readout_body,
        grid=(N_GRID,),
        in_specs=[
            pl.BlockSpec((K_C, NODE_BLK), lambda i: (0, i)),
            pl.BlockSpec((K_C, NODE_BLK), lambda i: (0, i)),
            pl.BlockSpec((8, NODE_BLK), lambda i: (0, i)),
            pl.BlockSpec((1, NODE_BLK), lambda i: (0, i)),
            pl.BlockSpec((NODE_BLK, N_OUT_C), lambda i: (i, 0)),
            pl.BlockSpec((1, N_OUT_C), lambda i: (0, 0)),
        ],
        out_specs=pl.BlockSpec((BATCH_C, N_OUT_C), lambda i: (0, 0)),
        out_shape=jax.ShapeDtypeStruct((BATCH_C, N_OUT_C), jnp.float32),
    )(g, mask_t, lutp_t, ps_r, W, bias)


def kernel(states, adj_list, adj_list_mask, lut, W, b):
    ps2 = _pack_states(states)
    lutp = _pack_lut(lut)

    pad = N_PAD - N_RES
    adj_t = jnp.pad(adj_list[N_IN_C:].T, ((0, 0), (0, pad)))
    mask_t = jnp.pad(adj_list_mask[N_IN_C:].T, ((0, 0), (0, pad)))
    lutp_t = jnp.pad(lutp[N_IN_C:].T, ((0, 0), (0, pad)))
    ps_r = jnp.pad(ps2[:, N_IN_C:], ((0, 0), (0, pad)))

    g_flat = _sc_gather(ps2.reshape(N_NODES_C), adj_t.reshape(IDX_TOTAL))
    g = g_flat.reshape(K_C, N_PAD)

    return _update_readout(g, mask_t, lutp_t, ps_r, W,
                           b.reshape(1, N_OUT_C))

# --- scband reference (transcript-rebuilt; emitter-appended) ---
"""Pipeline reference for scband-boolean-reservoir-3255585210786 (READ-ONLY COPY).

The authoritative reference and input builder live on the scoring server;
editing this copy changes nothing except your own understanding.
"""

import jax, jax.numpy as jnp
import numpy as np

N_NODES = 100000
N_INPUT = 1024
K_MAX = 8
N_OUT = 128
BATCH = 32


def setup_inputs(seed: int = 0):
    key = jax.random.key(seed)
    k1, k2, k3, k4, k5 = jax.random.split(key, 5)
    states = jax.random.randint(k1, (BATCH, N_NODES), 0, 2, dtype=jnp.int32)
    adj_list = jax.random.randint(k2, (N_NODES, K_MAX), 0, N_NODES, dtype=jnp.int32)
    adj_list_mask = jax.random.randint(k3, (N_NODES, K_MAX), 0, 2, dtype=jnp.int32)
    lut = jax.random.randint(k4, (N_NODES, 2 ** K_MAX), 0, 2, dtype=jnp.int32)
    W = jax.random.normal(k5, (N_NODES - N_INPUT, N_OUT), dtype=jnp.float32) * 0.02
    b = jnp.zeros((N_OUT,), dtype=jnp.float32)
    return {"states": states, "adj_list": adj_list, "adj_list_mask": adj_list_mask, "lut": lut, "W": W, "b": b}


def reference(states, adj_list, adj_list_mask, lut, W, b):
    B = states.shape[0]
    # gather incoming-neighbor states: states[:, adj_list] -> [B, N, K]
    neighbor_states = jnp.take(states, adj_list.reshape(-1), axis=1).reshape(B, N_NODES, K_MAX)
    # zero out padded (invalid) neighbor slots
    masked = neighbor_states * adj_list_mask[None, :, :]
    # bin2int with big-endian powers of two (flipped arange, as in make_minimal_powers_of_two)
    powers_of_2 = (2 ** jnp.arange(K_MAX, dtype=jnp.int32))[::-1]
    lut_idx = jnp.sum(masked * powers_of_2[None, None, :], axis=-1)  # [B, N]
    # per-node LUT lookup: new_state[b, n] = lut[n, lut_idx[b, n]]
    new_states = jnp.take_along_axis(
        jnp.broadcast_to(lut[None, :, :], (B, N_NODES, lut.shape[1])),
        lut_idx[:, :, None], axis=2)[..., 0]
    # nodes with no incoming neighbors keep their previous state
    no_neighbours = ~(adj_list_mask.astype(bool).any(axis=1))
    new_states = jnp.where(no_neighbours[None, :], states, new_states)
    # readout over reservoir (non-input) nodes
    res = new_states[:, N_INPUT:].astype(jnp.float32)
    out = jax.nn.sigmoid(res @ W + b)
    return out

if __name__ == "__main__":
    import jax
    _d = setup_inputs()
    print(jax.jit(kernel)(*tuple(_d.values())))

</pallas_src>

<mosaic_0001>
#map = affine_map<(d0, d1) -> (0)>
module attributes {stable_mosaic.version = 14 : i64} {
  func.func @k(%arg0: i32, %arg1: i32, %arg2: memref<100000xi32, #tpu.memory_space<hbm>>, %arg3: memref<794624xi32, #tpu.memory_space<hbm>>, %arg4: memref<794624xi32, #tpu.memory_space<hbm>>, %arg5: memref<100000xi32, #tpu.memory_space<vmem>>, %arg6: memref<6208xi32, #tpu.memory_space<vmem>>, %arg7: memref<6208xi32, #tpu.memory_space<vmem>>) attributes {dimension_semantics = [#tpu.dimension_semantics<core_parallel>, #tpu.dimension_semantics<subcore_parallel>], iteration_bounds = array<i64: 2, 16>, scalar_prefetch = 0 : i64, scratch_operands = 3 : i64, tpu.core_type = #tpu.core_type<sc_vector_subcore>, window_params = [{transform_indices = #map}, {transform_indices = #map}, {transform_indices = #map}]} {
    %mul3A = arith.constant 2 : i32
    %mul3A_0 = arith.muli %arg1, %mul3A : i32
    %add3A = arith.addi %mul3A_0, %arg0 : i32
    %mul3A_1 = arith.constant 24832 : i32
    %mul3A_2 = arith.muli %add3A, %mul3A_1 : i32
    "tpu.region"() ({
      %run_scoped3A = tpu.sem_alloc : memref<!tpu.dma_semaphore, #tpu.memory_space<semaphore_mem>>
      tpu.enqueue_dma source(%arg2 : memref<100000xi32, #tpu.memory_space<hbm>>) target(%arg5 : memref<100000xi32, #tpu.memory_space<vmem>>) target_semaphore(%run_scoped3A : memref<!tpu.dma_semaphore, #tpu.memory_space<semaphore_mem>>)
      tpu.wait_dma2 semaphore(%run_scoped3A : memref<!tpu.dma_semaphore, #tpu.memory_space<semaphore_mem>>) src(%arg2 : memref<100000xi32, #tpu.memory_space<hbm>>) dst(%arg5 : memref<100000xi32, #tpu.memory_space<vmem>>)
      tpu.yield
    }) : () -> ()
    %scan3A = arith.constant 0 : i32
    %scan3A_3 = arith.constant 0 : i32
    %scan3A_4 = arith.constant 4 : i32
    %scan3A_5 = arith.addi %scan3A_3, %scan3A_4 : i32
    %scan3A_6 = arith.constant 1 : i32
    scf.for %scan3A_8 = %scan3A_3 to %scan3A_5 step %scan3A_6  : i32 {
      %mul3A_9 = arith.constant 6208 : i32
      %mul3A_10 = arith.muli %scan3A_8, %mul3A_9 : i32
      %add3A_11 = arith.addi %mul3A_2, %mul3A_10 : i32
      "tpu.region"() ({
        %run_scoped3A = tpu.sem_alloc : memref<!tpu.dma_semaphore, #tpu.memory_space<semaphore_mem>>
        %dma_start3A = tpu.memref_slice %arg3[%add3A_11] : memref<794624xi32, #tpu.memory_space<hbm>> -> memref<6208xi32, #tpu.memory_space<hbm>>
        %dma_start3A_18 = tpu.memref_slice %arg3[%add3A_11] : memref<794624xi32, #tpu.memory_space<hbm>> -> memref<6208xi32, #tpu.memory_space<hbm>>
        tpu.enqueue_dma source(%dma_start3A_18 : memref<6208xi32, #tpu.memory_space<hbm>>) target(%arg6 : memref<6208xi32, #tpu.memory_space<vmem>>) target_semaphore(%run_scoped3A : memref<!tpu.dma_semaphore, #tpu.memory_space<semaphore_mem>>)
        %dma_wait3A = tpu.memref_slice %arg3[%add3A_11] : memref<794624xi32, #tpu.memory_space<hbm>> -> memref<6208xi32, #tpu.memory_space<hbm>>
        %dma_wait3A_19 = tpu.memref_slice %arg3[%add3A_11] : memref<794624xi32, #tpu.memory_space<hbm>> -> memref<6208xi32, #tpu.memory_space<hbm>>
        tpu.wait_dma2 semaphore(%run_scoped3A : memref<!tpu.dma_semaphore, #tpu.memory_space<semaphore_mem>>) src(%dma_wait3A_19 : memref<6208xi32, #tpu.memory_space<hbm>>) dst(%arg6 : memref<6208xi32, #tpu.memory_space<vmem>>)
        tpu.yield
      }) : () -> ()
      %scan3A_12 = arith.constant 0 : i32
      %scan3A_13 = arith.constant 0 : i32
      %scan3A_14 = arith.constant 388 : i32
      %scan3A_15 = arith.addi %scan3A_13, %scan3A_14 : i32
      %scan3A_16 = arith.constant 1 : i32
      scf.for %scan3A_18 = %scan3A_13 to %scan3A_15 step %scan3A_16  : i32 {
        %mul3A_19 = arith.constant 16 : i32
        %mul3A_20 = arith.muli %scan3A_18, %mul3A_19 : i32
        %get3A = arith.index_cast %mul3A_20 : i32 to index
        %get3A_21 = tpu.vector_load %arg6[%get3A] {strides = array<i32>} : memref<6208xi32, #tpu.memory_space<vmem>>, vector<16xi32>,
        %gather3A = tpu.vector_load_idx %arg5[%get3A_21] : memref<100000xi32, #tpu.memory_space<vmem>>[vector<16xi32>], vector<16xi32>,
        %mul3A_22 = arith.constant 16 : i32
        %mul3A_23 = arith.muli %scan3A_18, %mul3A_22 : i32
        %swap3A = arith.index_cast %mul3A_23 : i32 to index
        %swap3A_24 = tpu.vector_load %arg7[%swap3A] {strides = array<i32>} : memref<6208xi32, #tpu.memory_space<vmem>>, vector<16xi32>,
        tpu.vector_store %arg7[%swap3A], %gather3A {strides = array<i32>} : memref<6208xi32, #tpu.memory_space<vmem>>, vector<16xi32>,
      }
      %scan3A_17 = arith.constant 388 : i32
      "tpu.region"() ({
        %run_scoped3A = tpu.sem_alloc : memref<!tpu.dma_semaphore, #tpu.memory_space<semaphore_mem>>
        %dma_start3A = tpu.memref_slice %arg4[%add3A_11] : memref<794624xi32, #tpu.memory_space<hbm>> -> memref<6208xi32, #tpu.memory_space<hbm>>
        %dma_start3A_18 = tpu.memref_slice %arg4[%add3A_11] : memref<794624xi32, #tpu.memory_space<hbm>> -> memref<6208xi32, #tpu.memory_space<hbm>>
        tpu.enqueue_dma source(%arg7 : memref<6208xi32, #tpu.memory_space<vmem>>) target(%dma_start3A_18 : memref<6208xi32, #tpu.memory_space<hbm>>) target_semaphore(%run_scoped3A : memref<!tpu.dma_semaphore, #tpu.memory_space<semaphore_mem>>)
        %dma_wait3A = tpu.memref_slice %arg4[%add3A_11] : memref<794624xi32, #tpu.memory_space<hbm>> -> memref<6208xi32, #tpu.memory_space<hbm>>
        %dma_wait3A_19 = tpu.memref_slice %arg4[%add3A_11] : memref<794624xi32, #tpu.memory_space<hbm>> -> memref<6208xi32, #tpu.memory_space<hbm>>
        tpu.wait_dma2 semaphore(%run_scoped3A : memref<!tpu.dma_semaphore, #tpu.memory_space<semaphore_mem>>) src(%arg7 : memref<6208xi32, #tpu.memory_space<vmem>>) dst(%dma_wait3A_19 : memref<6208xi32, #tpu.memory_space<hbm>>)
        tpu.yield
      }) : () -> ()
    }
    %scan3A_7 = arith.constant 4 : i32
    return
  }
}

module attributes {stable_mosaic.version = 14 : i64} {
  func.func @_pack_states_body(%arg0: i32, %arg1: memref<32x4096xi32, #tpu.memory_space<vmem>>, %arg2: memref<1x4096xi32, #tpu.memory_space<vmem>>) attributes {dimension_semantics = [#tpu.dimension_semantics<arbitrary>], iteration_bounds = array<i64: 25>, scalar_prefetch = 0 : i64, scratch_operands = 0 : i64, tpu.core_type = #tpu.core_type<tc>, window_params = [{transform_indices = @transform_0, window_bounds = array<i64: 32, 4096>}, {transform_indices = @transform_1, window_bounds = array<i64: 1, 4096>}]} {
    %get3A = arith.constant 0 : index
    %get3A_0 = arith.constant 0 : index
    %get3A_1 = vector.load %arg1[%get3A, %get3A_0] : memref<32x4096xi32, #tpu.memory_space<vmem>>, vector<32x4096xi32>
    %iota3A = tpu.iota {dimensions = array<i32: 0>} : vector<32x1xi32>
    %shift_left3A = vector.broadcast %iota3A : vector<32x1xi32> to vector<32x4096xi32>
    %shift_left3A_2 = arith.shli %get3A_1, %shift_left3A : vector<32x4096xi32>
    %reduce_sum3A = arith.constant dense<0> : vector<4096xi32>
    %reduce_sum3A_3 = vector.multi_reduction <add>, %shift_left3A_2, %reduce_sum3A [0] : vector<32x4096xi32> to vector<4096xi32>
    %broadcast_in_dim3A = vector.shape_cast %reduce_sum3A_3 : vector<4096xi32> to vector<1x4096xi32>
    %swap3A = arith.constant 0 : index
    %swap3A_4 = arith.constant 0 : index
    %swap3A_5 = vector.load %arg2[%swap3A, %swap3A_4] : memref<1x4096xi32, #tpu.memory_space<vmem>>, vector<1x4096xi32>
    tpu.vector_store %arg2[%swap3A, %swap3A_4], %broadcast_in_dim3A {strides = array<i32>} : memref<1x4096xi32, #tpu.memory_space<vmem>>, vector<1x4096xi32>,
    return
  }
  func.func @transform_0(%arg0: i32) -> (i32, i32) {
    %c0_i32 = arith.constant 0 : i32
    %c0_i32_0 = arith.constant 0 : i32
    return %c0_i32, %arg0 : i32, i32
  }
  func.func @transform_1(%arg0: i32) -> (i32, i32) {
    %c0_i32 = arith.constant 0 : i32
    %c0_i32_0 = arith.constant 0 : i32
    return %c0_i32, %arg0 : i32, i32
  }
}

module attributes {stable_mosaic.version = 14 : i64} {
  func.func @_pack_lut_body(%arg0: i32, %arg1: memref<2048x256xi32, #tpu.memory_space<vmem>>, %arg2: memref<2048x8xi32, #tpu.memory_space<vmem>>) attributes {dimension_semantics = [#tpu.dimension_semantics<arbitrary>], iteration_bounds = array<i64: 49>, scalar_prefetch = 0 : i64, scratch_operands = 0 : i64, tpu.core_type = #tpu.core_type<tc>, window_params = [{transform_indices = @transform_0, window_bounds = array<i64: 2048, 256>}, {transform_indices = @transform_1, window_bounds = array<i64: 2048, 8>}]} {
    %get3A = arith.constant 0 : index
    %get3A_0 = arith.constant 0 : index
    %get3A_1 = vector.load %arg1[%get3A, %get3A_0] : memref<2048x256xi32, #tpu.memory_space<vmem>>, vector<2048x256xi32>
    %iota3A = tpu.iota {dimensions = array<i32: 1>} : vector<1x32xi32>
    %slice3A = vector.extract_strided_slice %get3A_1 {offsets = [0, 0], sizes = [2048, 32], strides = [1, 1]} : vector<2048x256xi32> to vector<2048x32xi32>
    %shift_left3A = vector.broadcast %iota3A : vector<1x32xi32> to vector<2048x32xi32>
    %shift_left3A_2 = arith.shli %slice3A, %shift_left3A : vector<2048x32xi32>
    %reduce_sum3A = arith.constant dense<0> : vector<2048xi32>
    %reduce_sum3A_3 = vector.multi_reduction <add>, %shift_left3A_2, %reduce_sum3A [1] : vector<2048x32xi32> to vector<2048xi32>
    %broadcast_in_dim3A = vector.shape_cast %reduce_sum3A_3 : vector<2048xi32> to vector<2048x1xi32>
    %swap3A = arith.constant 0 : index
    %swap3A_4 = arith.constant 0 : index
    %swap3A_5 = vector.load %arg2[%swap3A, %swap3A_4] : memref<2048x8xi32, #tpu.memory_space<vmem>>, vector<2048x1xi32>
    tpu.vector_store %arg2[%swap3A, %swap3A_4], %broadcast_in_dim3A {strides = array<i32>} : memref<2048x8xi32, #tpu.memory_space<vmem>>, vector<2048x1xi32>,
    %slice3A_6 = vector.extract_strided_slice %get3A_1 {offsets = [0, 32], sizes = [2048, 32], strides = [1, 1]} : vector<2048x256xi32> to vector<2048x32xi32>
    %shift_left3A_7 = vector.broadcast %iota3A : vector<1x32xi32> to vector<2048x32xi32>
    %shift_left3A_8 = arith.shli %slice3A_6, %shift_left3A_7 : vector<2048x32xi32>
    %reduce_sum3A_9 = arith.constant dense<0> : vector<2048xi32>
    %reduce_sum3A_10 = vector.multi_reduction <add>, %shift_left3A_8, %reduce_sum3A_9 [1] : vector<2048x32xi32> to vector<2048xi32>
    %broadcast_in_dim3A_11 = vector.shape_cast %reduce_sum3A_10 : vector<2048xi32> to vector<2048x1xi32>
    %swap3A_12 = arith.constant 0 : index
    %swap3A_13 = arith.constant 1 : index
    %swap3A_14 = vector.load %arg2[%swap3A_12, %swap3A_13] : memref<2048x8xi32, #tpu.memory_space<vmem>>, vector<2048x1xi32>
    tpu.vector_store %arg2[%swap3A_12, %swap3A_13], %broadcast_in_dim3A_11 {strides = array<i32>} : memref<2048x8xi32, #tpu.memory_space<vmem>>, vector<2048x1xi32>,
    %slice3A_15 = vector.extract_strided_slice %get3A_1 {offsets = [0, 64], sizes = [2048, 32], strides = [1, 1]} : vector<2048x256xi32> to vector<2048x32xi32>
    %shift_left3A_16 = vector.broadcast %iota3A : vector<1x32xi32> to vector<2048x32xi32>
    %shift_left3A_17 = arith.shli %slice3A_15, %shift_left3A_16 : vector<2048x32xi32>
    %reduce_sum3A_18 = arith.constant dense<0> : vector<2048xi32>
    %reduce_sum3A_19 = vector.multi_reduction <add>, %shift_left3A_17, %reduce_sum3A_18 [1] : vector<2048x32xi32> to vector<2048xi32>
    %broadcast_in_dim3A_20 = vector.shape_cast %reduce_sum3A_19 : vector<2048xi32> to vector<2048x1xi32>
    %swap3A_21 = arith.constant 0 : index
    %swap3A_22 = arith.constant 2 : index
    %swap3A_23 = vector.load %arg2[%swap3A_21, %swap3A_22] : memref<2048x8xi32, #tpu.memory_space<vmem>>, vector<2048x1xi32>
    tpu.vector_store %arg2[%swap3A_21, %swap3A_22], %broadcast_in_dim3A_20 {strides = array<i32>} : memref<2048x8xi32, #tpu.memory_space<vmem>>, vector<2048x1xi32>,
    %slice3A_24 = vector.extract_strided_slice %get3A_1 {offsets = [0, 96], sizes = [2048, 32], strides = [1, 1]} : vector<2048x256xi32> to vector<2048x32xi32>
    %shift_left3A_25 = vector.broadcast %iota3A : vector<1x32xi32> to vector<2048x32xi32>
    %shift_left3A_26 = arith.shli %slice3A_24, %shift_left3A_25 : vector<2048x32xi32>
    %reduce_sum3A_27 = arith.constant dense<0> : vector<2048xi32>
    %reduce_sum3A_28 = vector.multi_reduction <add>, %shift_left3A_26, %reduce_sum3A_27 [1] : vector<2048x32xi32> to vector<2048xi32>
    %broadcast_in_dim3A_29 = vector.shape_cast %reduce_sum3A_28 : vector<2048xi32> to vector<2048x1xi32>
    %swap3A_30 = arith.constant 0 : index
    %swap3A_31 = arith.constant 3 : index
    %swap3A_32 = vector.load %arg2[%swap3A_30, %swap3A_31] : memref<2048x8xi32, #tpu.memory_space<vmem>>, vector<2048x1xi32>
    tpu.vector_store %arg2[%swap3A_30, %swap3A_31], %broadcast_in_dim3A_29 {strides = array<i32>} : memref<2048x8xi32, #tpu.memory_space<vmem>>, vector<2048x1xi32>,
    %slice3A_33 = vector.extract_strided_slice %get3A_1 {offsets = [0, 128], sizes = [2048, 32], strides = [1, 1]} : vector<2048x256xi32> to vector<2048x32xi32>
    %shift_left3A_34 = vector.broadcast %iota3A : vector<1x32xi32> to vector<2048x32xi32>
    %shift_left3A_35 = arith.shli %slice3A_33, %shift_left3A_34 : vector<2048x32xi32>
    %reduce_sum3A_36 = arith.constant dense<0> : vector<2048xi32>
    %reduce_sum3A_37 = vector.multi_reduction <add>, %shift_left3A_35, %reduce_sum3A_36 [1] : vector<2048x32xi32> to vector<2048xi32>
    %broadcast_in_dim3A_38 = vector.shape_cast %reduce_sum3A_37 : vector<2048xi32> to vector<2048x1xi32>
    %swap3A_39 = arith.constant 0 : index
    %swap3A_40 = arith.constant 4 : index
    %swap3A_41 = vector.load %arg2[%swap3A_39, %swap3A_40] : memref<2048x8xi32, #tpu.memory_space<vmem>>, vector<2048x1xi32>
    tpu.vector_store %arg2[%swap3A_39, %swap3A_40], %broadcast_in_dim3A_38 {strides = array<i32>} : memref<2048x8xi32, #tpu.memory_space<vmem>>, vector<2048x1xi32>,
    %slice3A_42 = vector.extract_strided_slice %get3A_1 {offsets = [0, 160], sizes = [2048, 32], strides = [1, 1]} : vector<2048x256xi32> to vector<2048x32xi32>
    %shift_left3A_43 = vector.broadcast %iota3A : vector<1x32xi32> to vector<2048x32xi32>
    %shift_left3A_44 = arith.shli %slice3A_42, %shift_left3A_43 : vector<2048x32xi32>
    %reduce_sum3A_45 = arith.constant dense<0> : vector<2048xi32>
    %reduce_sum3A_46 = vector.multi_reduction <add>, %shift_left3A_44, %reduce_sum3A_45 [1] : vector<2048x32xi32> to vector<2048xi32>
    %broadcast_in_dim3A_47 = vector.shape_cast %reduce_sum3A_46 : vector<2048xi32> to vector<2048x1xi32>
    %swap3A_48 = arith.constant 0 : index
    %swap3A_49 = arith.constant 5 : index
    %swap3A_50 = vector.load %arg2[%swap3A_48, %swap3A_49] : memref<2048x8xi32, #tpu.memory_space<vmem>>, vector<2048x1xi32>
    tpu.vector_store %arg2[%swap3A_48, %swap3A_49], %broadcast_in_dim3A_47 {strides = array<i32>} : memref<2048x8xi32, #tpu.memory_space<vmem>>, vector<2048x1xi32>,
    %slice3A_51 = vector.extract_strided_slice %get3A_1 {offsets = [0, 192], sizes = [2048, 32], strides = [1, 1]} : vector<2048x256xi32> to vector<2048x32xi32>
    %shift_left3A_52 = vector.broadcast %iota3A : vector<1x32xi32> to vector<2048x32xi32>
    %shift_left3A_53 = arith.shli %slice3A_51, %shift_left3A_52 : vector<2048x32xi32>
    %reduce_sum3A_54 = arith.constant dense<0> : vector<2048xi32>
    %reduce_sum3A_55 = vector.multi_reduction <add>, %shift_left3A_53, %reduce_sum3A_54 [1] : vector<2048x32xi32> to vector<2048xi32>
    %broadcast_in_dim3A_56 = vector.shape_cast %reduce_sum3A_55 : vector<2048xi32> to vector<2048x1xi32>
    %swap3A_57 = arith.constant 0 : index
    %swap3A_58 = arith.constant 6 : index
    %swap3A_59 = vector.load %arg2[%swap3A_57, %swap3A_58] : memref<2048x8xi32, #tpu.memory_space<vmem>>, vector<2048x1xi32>
    tpu.vector_store %arg2[%swap3A_57, %swap3A_58], %broadcast_in_dim3A_56 {strides = array<i32>} : memref<2048x8xi32, #tpu.memory_space<vmem>>, vector<2048x1xi32>,
    %slice3A_60 = vector.extract_strided_slice %get3A_1 {offsets = [0, 224], sizes = [2048, 32], strides = [1, 1]} : vector<2048x256xi32> to vector<2048x32xi32>
    %shift_left3A_61 = vector.broadcast %iota3A : vector<1x32xi32> to vector<2048x32xi32>
    %shift_left3A_62 = arith.shli %slice3A_60, %shift_left3A_61 : vector<2048x32xi32>
    %reduce_sum3A_63 = arith.constant dense<0> : vector<2048xi32>
    %reduce_sum3A_64 = vector.multi_reduction <add>, %shift_left3A_62, %reduce_sum3A_63 [1] : vector<2048x32xi32> to vector<2048xi32>
    %broadcast_in_dim3A_65 = vector.shape_cast %reduce_sum3A_64 : vector<2048xi32> to vector<2048x1xi32>
    %swap3A_66 = arith.constant 0 : index
    %swap3A_67 = arith.constant 7 : index
    %swap3A_68 = vector.load %arg2[%swap3A_66, %swap3A_67] : memref<2048x8xi32, #tpu.memory_space<vmem>>, vector<2048x1xi32>
    tpu.vector_store %arg2[%swap3A_66, %swap3A_67], %broadcast_in_dim3A_65 {strides = array<i32>} : memref<2048x8xi32, #tpu.memory_space<vmem>>, vector<2048x1xi32>,
    return
  }
  func.func @transform_0(%arg0: i32) -> (i32, i32) {
    %c0_i32 = arith.constant 0 : i32
    %c0_i32_0 = arith.constant 0 : i32
    return %arg0, %c0_i32 : i32, i32
  }
  func.func @transform_1(%arg0: i32) -> (i32, i32) {
    %c0_i32 = arith.constant 0 : i32
    %c0_i32_0 = arith.constant 0 : i32
    return %arg0, %c0_i32 : i32, i32
  }
}

module attributes {stable_mosaic.version = 14 : i64} {
  func.func @_update_readout_body(%arg0: i32, %arg1: memref<8x512xi32, #tpu.memory_space<vmem>>, %arg2: memref<8x512xi32, #tpu.memory_space<vmem>>, %arg3: memref<8x512xi32, #tpu.memory_space<vmem>>, %arg4: memref<1x512xi32, #tpu.memory_space<vmem>>, %arg5: memref<512x128xf32, #tpu.memory_space<vmem>>, %arg6: memref<1x128xf32, #tpu.memory_space<vmem>>, %arg7: memref<32x128xf32, #tpu.memory_space<vmem>>) attributes {dimension_semantics = [#tpu.dimension_semantics<arbitrary>], iteration_bounds = array<i64: 194>, scalar_prefetch = 0 : i64, scratch_operands = 0 : i64, tpu.core_type = #tpu.core_type<tc>, window_params = [{transform_indices = @transform_0, window_bounds = array<i64: 8, 512>}, {transform_indices = @transform_1, window_bounds = array<i64: 8, 512>}, {transform_indices = @transform_2, window_bounds = array<i64: 8, 512>}, {transform_indices = @transform_3, window_bounds = array<i64: 1, 512>}, {transform_indices = @transform_4, window_bounds = array<i64: 512, 128>}, {pipeline_mode = #tpu.pipeline_mode<synchronous>, transform_indices = @transform_5, window_bounds = array<i64: 1, 128>}, {pipeline_mode = #tpu.pipeline_mode<synchronous>, transform_indices = @transform_6, window_bounds = array<i64: 32, 128>}]} {
    %mul3A = arith.constant 512 : i32
    %mul3A_0 = arith.muli %arg0, %mul3A : i32
    %sub3A = arith.constant 98976 : i32
    %sub3A_1 = arith.subi %sub3A, %mul3A_0 : i32
    %iota3A = tpu.iota {dimensions = array<i32: 1>} : vector<1x512xi32>
    %lt3A = vector.broadcast %sub3A_1 : i32 to vector<1x512xi32>
    %lt3A_2 = arith.cmpi slt, %iota3A, %lt3A : vector<1x512xi32>
    %iota3A_3 = tpu.iota {dimensions = array<i32: 0>} : vector<8x1xi32>
    %shift_right_arithmetic3A = arith.constant 128 : i32
    %shift_right_arithmetic3A_4 = vector.broadcast %shift_right_arithmetic3A : i32 to vector<8x1xi32>
    %shift_right_arithmetic3A_5 = arith.shrsi %shift_right_arithmetic3A_4, %iota3A_3 : vector<8x1xi32>
    %iota3A_6 = tpu.iota {dimensions = array<i32: 0>} : vector<8x1xi32>
    %get3A = arith.constant 0 : index
    %get3A_7 = arith.constant 0 : index
    %get3A_8 = vector.load %arg1[%get3A, %get3A_7] : memref<8x512xi32, #tpu.memory_space<vmem>>, vector<8x512xi32>
    %get3A_9 = arith.constant 0 : index
    %get3A_10 = arith.constant 0 : index
    %get3A_11 = vector.load %arg2[%get3A_9, %get3A_10] : memref<8x512xi32, #tpu.memory_space<vmem>>, vector<8x512xi32>
    %mul3A_12 = arith.muli %get3A_8, %get3A_11 : vector<8x512xi32>
    %get3A_13 = arith.constant 0 : index
    %get3A_14 = arith.constant 0 : index
    %get3A_15 = vector.load %arg3[%get3A_13, %get3A_14] : memref<8x512xi32, #tpu.memory_space<vmem>>, vector<8x512xi32>
    %get3A_16 = arith.constant 0 : index
    %get3A_17 = arith.constant 0 : index
    %get3A_18 = vector.load %arg4[%get3A_16, %get3A_17] : memref<1x512xi32, #tpu.memory_space<vmem>>, vector<1x512xi32>
    %get3A_19 = arith.constant 0 : index
    %get3A_20 = arith.constant 0 : index
    %get3A_21 = vector.load %arg2[%get3A_19, %get3A_20] : memref<8x512xi32, #tpu.memory_space<vmem>>, vector<8x512xi32>
    %reduce_sum3A = arith.constant dense<0> : vector<512xi32>
    %reduce_sum3A_22 = vector.multi_reduction <add>, %get3A_21, %reduce_sum3A [0] : vector<8x512xi32> to vector<512xi32>
    %broadcast_in_dim3A = vector.shape_cast %reduce_sum3A_22 : vector<512xi32> to vector<1x512xi32>
    %eq3A = arith.constant 0 : i32
    %eq3A_23 = vector.broadcast %eq3A : i32 to vector<1x512xi32>
    %eq3A_24 = arith.cmpi eq, %broadcast_in_dim3A, %eq3A_23 : vector<1x512xi32>
    %shift_right_logical3A = arith.constant 0 : i32
    %shift_right_logical3A_25 = vector.broadcast %shift_right_logical3A : i32 to vector<8x512xi32>
    %shift_right_logical3A_26 = arith.shrui %mul3A_12, %shift_right_logical3A_25 : vector<8x512xi32>
    %and3A = arith.constant 1 : i32
    %and3A_27 = vector.broadcast %and3A : i32 to vector<8x512xi32>
    %and3A_28 = arith.andi %shift_right_logical3A_26, %and3A_27 : vector<8x512xi32>
    %mul3A_29 = vector.broadcast %shift_right_arithmetic3A_5 : vector<8x1xi32> to vector<8x512xi32>
    %mul3A_30 = arith.muli %and3A_28, %mul3A_29 : vector<8x512xi32>
    %reduce_sum3A_31 = arith.constant dense<0> : vector<512xi32>
    %reduce_sum3A_32 = vector.multi_reduction <add>, %mul3A_30, %reduce_sum3A_31 [0] : vector<8x512xi32> to vector<512xi32>
    %broadcast_in_dim3A_33 = vector.shape_cast %reduce_sum3A_32 : vector<512xi32> to vector<1x512xi32>
    %shift_right_arithmetic3A_34 = arith.constant 5 : i32
    %shift_right_arithmetic3A_35 = vector.broadcast %shift_right_arithmetic3A_34 : i32 to vector<1x512xi32>
    %shift_right_arithmetic3A_36 = arith.shrsi %broadcast_in_dim3A_33, %shift_right_arithmetic3A_35 : vector<1x512xi32>
    %broadcast_in_dim3A_37 = vector.shape_cast %shift_right_arithmetic3A_36 : vector<1x512xi32> to vector<1x512xi32>
    %broadcast_in_dim3A_38 = vector.broadcast %broadcast_in_dim3A_37 : vector<1x512xi32> to vector<8x512xi32>
    %eq3A_39 = vector.broadcast %iota3A_6 : vector<8x1xi32> to vector<8x512xi32>
    %eq3A_40 = arith.cmpi eq, %broadcast_in_dim3A_38, %eq3A_39 : vector<8x512xi32>
    %convert_element_type3A = arith.extui %eq3A_40 : vector<8x512xi1> to vector<8x512xi32>
    %mul3A_41 = arith.muli %get3A_15, %convert_element_type3A : vector<8x512xi32>
    %reduce_sum3A_42 = arith.constant dense<0> : vector<512xi32>
    %reduce_sum3A_43 = vector.multi_reduction <add>, %mul3A_41, %reduce_sum3A_42 [0] : vector<8x512xi32> to vector<512xi32>
    %broadcast_in_dim3A_44 = vector.shape_cast %reduce_sum3A_43 : vector<512xi32> to vector<1x512xi32>
    %and3A_45 = arith.constant 31 : i32
    %and3A_46 = vector.broadcast %and3A_45 : i32 to vector<1x512xi32>
    %and3A_47 = arith.andi %broadcast_in_dim3A_33, %and3A_46 : vector<1x512xi32>
    %shift_right_logical3A_48 = arith.shrui %broadcast_in_dim3A_44, %and3A_47 : vector<1x512xi32>
    %and3A_49 = arith.constant 1 : i32
    %and3A_50 = vector.broadcast %and3A_49 : i32 to vector<1x512xi32>
    %and3A_51 = arith.andi %shift_right_logical3A_48, %and3A_50 : vector<1x512xi32>
    %shift_right_logical3A_52 = arith.constant 0 : i32
    %shift_right_logical3A_53 = vector.broadcast %shift_right_logical3A_52 : i32 to vector<1x512xi32>
    %shift_right_logical3A_54 = arith.shrui %get3A_18, %shift_right_logical3A_53 : vector<1x512xi32>
    %and3A_55 = arith.constant 1 : i32
    %and3A_56 = vector.broadcast %and3A_55 : i32 to vector<1x512xi32>
    %and3A_57 = arith.andi %shift_right_logical3A_54, %and3A_56 : vector<1x512xi32>
    %select_n3A = arith.select %eq3A_24, %and3A_57, %and3A_51 : vector<1x512xi1>, vector<1x512xi32>
    %shift_right_logical3A_58 = arith.constant 1 : i32
    %shift_right_logical3A_59 = vector.broadcast %shift_right_logical3A_58 : i32 to vector<8x512xi32>
    %shift_right_logical3A_60 = arith.shrui %mul3A_12, %shift_right_logical3A_59 : vector<8x512xi32>
    %and3A_61 = arith.constant 1 : i32
    %and3A_62 = vector.broadcast %and3A_61 : i32 to vector<8x512xi32>
    %and3A_63 = arith.andi %shift_right_logical3A_60, %and3A_62 : vector<8x512xi32>
    %mul3A_64 = vector.broadcast %shift_right_arithmetic3A_5 : vector<8x1xi32> to vector<8x512xi32>
    %mul3A_65 = arith.muli %and3A_63, %mul3A_64 : vector<8x512xi32>
    %reduce_sum3A_66 = arith.constant dense<0> : vector<512xi32>
    %reduce_sum3A_67 = vector.multi_reduction <add>, %mul3A_65, %reduce_sum3A_66 [0] : vector<8x512xi32> to vector<512xi32>
    %broadcast_in_dim3A_68 = vector.shape_cast %reduce_sum3A_67 : vector<512xi32> to vector<1x512xi32>
    %shift_right_arithmetic3A_69 = arith.constant 5 : i32
    %shift_right_arithmetic3A_70 = vector.broadcast %shift_right_arithmetic3A_69 : i32 to vector<1x512xi32>
    %shift_right_arithmetic3A_71 = arith.shrsi %broadcast_in_dim3A_68, %shift_right_arithmetic3A_70 : vector<1x512xi32>
    %broadcast_in_dim3A_72 = vector.shape_cast %shift_right_arithmetic3A_71 : vector<1x512xi32> to vector<1x512xi32>
    %broadcast_in_dim3A_73 = vector.broadcast %broadcast_in_dim3A_72 : vector<1x512xi32> to vector<8x512xi32>
    %eq3A_74 = vector.broadcast %iota3A_6 : vector<8x1xi32> to vector<8x512xi32>
    %eq3A_75 = arith.cmpi eq, %broadcast_in_dim3A_73, %eq3A_74 : vector<8x512xi32>
    %convert_element_type3A_76 = arith.extui %eq3A_75 : vector<8x512xi1> to vector<8x512xi32>
    %mul3A_77 = arith.muli %get3A_15, %convert_element_type3A_76 : vector<8x512xi32>
    %reduce_sum3A_78 = arith.constant dense<0> : vector<512xi32>
    %reduce_sum3A_79 = vector.multi_reduction <add>, %mul3A_77, %reduce_sum3A_78 [0] : vector<8x512xi32> to vector<512xi32>
    %broadcast_in_dim3A_80 = vector.shape_cast %reduce_sum3A_79 : vector<512xi32> to vector<1x512xi32>
    %and3A_81 = arith.constant 31 : i32
    %and3A_82 = vector.broadcast %and3A_81 : i32 to vector<1x512xi32>
    %and3A_83 = arith.andi %broadcast_in_dim3A_68, %and3A_82 : vector<1x512xi32>
    %shift_right_logical3A_84 = arith.shrui %broadcast_in_dim3A_80, %and3A_83 : vector<1x512xi32>
    %and3A_85 = arith.constant 1 : i32
    %and3A_86 = vector.broadcast %and3A_85 : i32 to vector<1x512xi32>
    %and3A_87 = arith.andi %shift_right_logical3A_84, %and3A_86 : vector<1x512xi32>
    %shift_right_logical3A_88 = arith.constant 1 : i32
    %shift_right_logical3A_89 = vector.broadcast %shift_right_logical3A_88 : i32 to vector<1x512xi32>
    %shift_right_logical3A_90 = arith.shrui %get3A_18, %shift_right_logical3A_89 : vector<1x512xi32>
    %and3A_91 = arith.constant 1 : i32
    %and3A_92 = vector.broadcast %and3A_91 : i32 to vector<1x512xi32>
    %and3A_93 = arith.andi %shift_right_logical3A_90, %and3A_92 : vector<1x512xi32>
    %select_n3A_94 = arith.select %eq3A_24, %and3A_93, %and3A_87 : vector<1x512xi1>, vector<1x512xi32>
    %shift_right_logical3A_95 = arith.constant 2 : i32
    %shift_right_logical3A_96 = vector.broadcast %shift_right_logical3A_95 : i32 to vector<8x512xi32>
    %shift_right_logical3A_97 = arith.shrui %mul3A_12, %shift_right_logical3A_96 : vector<8x512xi32>
    %and3A_98 = arith.constant 1 : i32
    %and3A_99 = vector.broadcast %and3A_98 : i32 to vector<8x512xi32>
    %and3A_100 = arith.andi %shift_right_logical3A_97, %and3A_99 : vector<8x512xi32>
    %mul3A_101 = vector.broadcast %shift_right_arithmetic3A_5 : vector<8x1xi32> to vector<8x512xi32>
    %mul3A_102 = arith.muli %and3A_100, %mul3A_101 : vector<8x512xi32>
    %reduce_sum3A_103 = arith.constant dense<0> : vector<512xi32>
    %reduce_sum3A_104 = vector.multi_reduction <add>, %mul3A_102, %reduce_sum3A_103 [0] : vector<8x512xi32> to vector<512xi32>
    %broadcast_in_dim3A_105 = vector.shape_cast %reduce_sum3A_104 : vector<512xi32> to vector<1x512xi32>
    %shift_right_arithmetic3A_106 = arith.constant 5 : i32
    %shift_right_arithmetic3A_107 = vector.broadcast %shift_right_arithmetic3A_106 : i32 to vector<1x512xi32>
    %shift_right_arithmetic3A_108 = arith.shrsi %broadcast_in_dim3A_105, %shift_right_arithmetic3A_107 : vector<1x512xi32>
    %broadcast_in_dim3A_109 = vector.shape_cast %shift_right_arithmetic3A_108 : vector<1x512xi32> to vector<1x512xi32>
    %broadcast_in_dim3A_110 = vector.broadcast %broadcast_in_dim3A_109 : vector<1x512xi32> to vector<8x512xi32>
    %eq3A_111 = vector.broadcast %iota3A_6 : vector<8x1xi32> to vector<8x512xi32>
    %eq3A_112 = arith.cmpi eq, %broadcast_in_dim3A_110, %eq3A_111 : vector<8x512xi32>
    %convert_element_type3A_113 = arith.extui %eq3A_112 : vector<8x512xi1> to vector<8x512xi32>
    %mul3A_114 = arith.muli %get3A_15, %convert_element_type3A_113 : vector<8x512xi32>
    %reduce_sum3A_115 = arith.constant dense<0> : vector<512xi32>
    %reduce_sum3A_116 = vector.multi_reduction <add>, %mul3A_114, %reduce_sum3A_115 [0] : vector<8x512xi32> to vector<512xi32>
    %broadcast_in_dim3A_117 = vector.shape_cast %reduce_sum3A_116 : vector<512xi32> to vector<1x512xi32>
    %and3A_118 = arith.constant 31 : i32
    %and3A_119 = vector.broadcast %and3A_118 : i32 to vector<1x512xi32>
    %and3A_120 = arith.andi %broadcast_in_dim3A_105, %and3A_119 : vector<1x512xi32>
    %shift_right_logical3A_121 = arith.shrui %broadcast_in_dim3A_117, %and3A_120 : vector<1x512xi32>
    %and3A_122 = arith.constant 1 : i32
    %and3A_123 = vector.broadcast %and3A_122 : i32 to vector<1x512xi32>
    %and3A_124 = arith.andi %shift_right_logical3A_121, %and3A_123 : vector<1x512xi32>
    %shift_right_logical3A_125 = arith.constant 2 : i32
    %shift_right_logical3A_126 = vector.broadcast %shift_right_logical3A_125 : i32 to vector<1x512xi32>
    %shift_right_logical3A_127 = arith.shrui %get3A_18, %shift_right_logical3A_126 : vector<1x512xi32>
    %and3A_128 = arith.constant 1 : i32
    %and3A_129 = vector.broadcast %and3A_128 : i32 to vector<1x512xi32>
    %and3A_130 = arith.andi %shift_right_logical3A_127, %and3A_129 : vector<1x512xi32>
    %select_n3A_131 = arith.select %eq3A_24, %and3A_130, %and3A_124 : vector<1x512xi1>, vector<1x512xi32>
    %shift_right_logical3A_132 = arith.constant 3 : i32
    %shift_right_logical3A_133 = vector.broadcast %shift_right_logical3A_132 : i32 to vector<8x512xi32>
    %shift_right_logical3A_134 = arith.shrui %mul3A_12, %shift_right_logical3A_133 : vector<8x512xi32>
    %and3A_135 = arith.constant 1 : i32
    %and3A_136 = vector.broadcast %and3A_135 : i32 to vector<8x512xi32>
    %and3A_137 = arith.andi %shift_right_logical3A_134, %and3A_136 : vector<8x512xi32>
    %mul3A_138 = vector.broadcast %shift_right_arithmetic3A_5 : vector<8x1xi32> to vector<8x512xi32>
    %mul3A_139 = arith.muli %and3A_137, %mul3A_138 : vector<8x512xi32>
    %reduce_sum3A_140 = arith.constant dense<0> : vector<512xi32>
    %reduce_sum3A_141 = vector.multi_reduction <add>, %mul3A_139, %reduce_sum3A_140 [0] : vector<8x512xi32> to vector<512xi32>
    %broadcast_in_dim3A_142 = vector.shape_cast %reduce_sum3A_141 : vector<512xi32> to vector<1x512xi32>
    %shift_right_arithmetic3A_143 = arith.constant 5 : i32
    %shift_right_arithmetic3A_144 = vector.broadcast %shift_right_arithmetic3A_143 : i32 to vector<1x512xi32>
    %shift_right_arithmetic3A_145 = arith.shrsi %broadcast_in_dim3A_142, %shift_right_arithmetic3A_144 : vector<1x512xi32>
    %broadcast_in_dim3A_146 = vector.shape_cast %shift_right_arithmetic3A_145 : vector<1x512xi32> to vector<1x512xi32>
    %broadcast_in_dim3A_147 = vector.broadcast %broadcast_in_dim3A_146 : vector<1x512xi32> to vector<8x512xi32>
    %eq3A_148 = vector.broadcast %iota3A_6 : vector<8x1xi32> to vector<8x512xi32>
    %eq3A_149 = arith.cmpi eq, %broadcast_in_dim3A_147, %eq3A_148 : vector<8x512xi32>
    %convert_element_type3A_150 = arith.extui %eq3A_149 : vector<8x512xi1> to vector<8x512xi32>
    %mul3A_151 = arith.muli %get3A_15, %convert_element_type3A_150 : vector<8x512xi32>
    %reduce_sum3A_152 = arith.constant dense<0> : vector<512xi32>
    %reduce_sum3A_153 = vector.multi_reduction <add>, %mul3A_151, %reduce_sum3A_152 [0] : vector<8x512xi32> to vector<512xi32>
    %broadcast_in_dim3A_154 = vector.shape_cast %reduce_sum3A_153 : vector<512xi32> to vector<1x512xi32>
    %and3A_155 = arith.constant 31 : i32
    %and3A_156 = vector.broadcast %and3A_155 : i32 to vector<1x512xi32>
    %and3A_157 = arith.andi %broadcast_in_dim3A_142, %and3A_156 : vector<1x512xi32>
    %shift_right_logical3A_158 = arith.shrui %broadcast_in_dim3A_154, %and3A_157 : vector<1x512xi32>
    %and3A_159 = arith.constant 1 : i32
    %and3A_160 = vector.broadcast %and3A_159 : i32 to vector<1x512xi32>
    %and3A_161 = arith.andi %shift_right_logical3A_158, %and3A_160 : vector<1x512xi32>
    %shift_right_logical3A_162 = arith.constant 3 : i32
    %shift_right_logical3A_163 = vector.broadcast %shift_right_logical3A_162 : i32 to vector<1x512xi32>
    %shift_right_logical3A_164 = arith.shrui %get3A_18, %shift_right_logical3A_163 : vector<1x512xi32>
    %and3A_165 = arith.constant 1 : i32
    %and3A_166 = vector.broadcast %and3A_165 : i32 to vector<1x512xi32>
    %and3A_167 = arith.andi %shift_right_logical3A_164, %and3A_166 : vector<1x512xi32>
    %select_n3A_168 = arith.select %eq3A_24, %and3A_167, %and3A_161 : vector<1x512xi1>, vector<1x512xi32>
    %shift_right_logical3A_169 = arith.constant 4 : i32
    %shift_right_logical3A_170 = vector.broadcast %shift_right_logical3A_169 : i32 to vector<8x512xi32>
    %shift_right_logical3A_171 = arith.shrui %mul3A_12, %shift_right_logical3A_170 : vector<8x512xi32>
    %and3A_172 = arith.constant 1 : i32
    %and3A_173 = vector.broadcast %and3A_172 : i32 to vector<8x512xi32>
    %and3A_174 = arith.andi %shift_right_logical3A_171, %and3A_173 : vector<8x512xi32>
    %mul3A_175 = vector.broadcast %shift_right_arithmetic3A_5 : vector<8x1xi32> to vector<8x512xi32>
    %mul3A_176 = arith.muli %and3A_174, %mul3A_175 : vector<8x512xi32>
    %reduce_sum3A_177 = arith.constant dense<0> : vector<512xi32>
    %reduce_sum3A_178 = vector.multi_reduction <add>, %mul3A_176, %reduce_sum3A_177 [0] : vector<8x512xi32> to vector<512xi32>
    %broadcast_in_dim3A_179 = vector.shape_cast %reduce_sum3A_178 : vector<512xi32> to vector<1x512xi32>
    %shift_right_arithmetic3A_180 = arith.constant 5 : i32
    %shift_right_arithmetic3A_181 = vector.broadcast %shift_right_arithmetic3A_180 : i32 to vector<1x512xi32>
    %shift_right_arithmetic3A_182 = arith.shrsi %broadcast_in_dim3A_179, %shift_right_arithmetic3A_181 : vector<1x512xi32>
    %broadcast_in_dim3A_183 = vector.shape_cast %shift_right_arithmetic3A_182 : vector<1x512xi32> to vector<1x512xi32>
    %broadcast_in_dim3A_184 = vector.broadcast %broadcast_in_dim3A_183 : vector<1x512xi32> to vector<8x512xi32>
    %eq3A_185 = vector.broadcast %iota3A_6 : vector<8x1xi32> to vector<8x512xi32>
    %eq3A_186 = arith.cmpi eq, %broadcast_in_dim3A_184, %eq3A_185 : vector<8x512xi32>
    %convert_element_type3A_187 = arith.extui %eq3A_186 : vector<8x512xi1> to vector<8x512xi32>
    %mul3A_188 = arith.muli %get3A_15, %convert_element_type3A_187 : vector<8x512xi32>
    %reduce_sum3A_189 = arith.constant dense<0> : vector<512xi32>
    %reduce_sum3A_190 = vector.multi_reduction <add>, %mul3A_188, %reduce_sum3A_189 [0] : vector<8x512xi32> to vector<512xi32>
    %broadcast_in_dim3A_191 = vector.shape_cast %reduce_sum3A_190 : vector<512xi32> to vector<1x512xi32>
    %and3A_192 = arith.constant 31 : i32
    %and3A_193 = vector.broadcast %and3A_192 : i32 to vector<1x512xi32>
    %and3A_194 = arith.andi %broadcast_in_dim3A_179, %and3A_193 : vector<1x512xi32>
    %shift_right_logical3A_195 = arith.shrui %broadcast_in_dim3A_191, %and3A_194 : vector<1x512xi32>
    %and3A_196 = arith.constant 1 : i32
    %and3A_197 = vector.broadcast %and3A_196 : i32 to vector<1x512xi32>
    %and3A_198 = arith.andi %shift_right_logical3A_195, %and3A_197 : vector<1x512xi32>
    %shift_right_logical3A_199 = arith.constant 4 : i32
    %shift_right_logical3A_200 = vector.broadcast %shift_right_logical3A_199 : i32 to vector<1x512xi32>
    %shift_right_logical3A_201 = arith.shrui %get3A_18, %shift_right_logical3A_200 : vector<1x512xi32>
    %and3A_202 = arith.constant 1 : i32
    %and3A_203 = vector.broadcast %and3A_202 : i32 to vector<1x512xi32>
    %and3A_204 = arith.andi %shift_right_logical3A_201, %and3A_203 : vector<1x512xi32>
    %select_n3A_205 = arith.select %eq3A_24, %and3A_204, %and3A_198 : vector<1x512xi1>, vector<1x512xi32>
    %shift_right_logical3A_206 = arith.constant 5 : i32
    %shift_right_logical3A_207 = vector.broadcast %shift_right_logical3A_206 : i32 to vector<8x512xi32>
    %shift_right_logical3A_208 = arith.shrui %mul3A_12, %shift_right_logical3A_207 : vector<8x512xi32>
    %and3A_209 = arith.constant 1 : i32
    %and3A_210 = vector.broadcast %and3A_209 : i32 to vector<8x512xi32>
    %and3A_211 = arith.andi %shift_right_logical3A_208, %and3A_210 : vector<8x512xi32>
    %mul3A_212 = vector.broadcast %shift_right_arithmetic3A_5 : vector<8x1xi32> to vector<8x512xi32>
    %mul3A_213 = arith.muli %and3A_211, %mul3A_212 : vector<8x512xi32>
    %reduce_sum3A_214 = arith.constant dense<0> : vector<512xi32>
    %reduce_sum3A_215 = vector.multi_reduction <add>, %mul3A_213, %reduce_sum3A_214 [0] : vector<8x512xi32> to vector<512xi32>
    %broadcast_in_dim3A_216 = vector.shape_cast %reduce_sum3A_215 : vector<512xi32> to vector<1x512xi32>
    %shift_right_arithmetic3A_217 = arith.constant 5 : i32
    %shift_right_arithmetic3A_218 = vector.broadcast %shift_right_arithmetic3A_217 : i32 to vector<1x512xi32>
    %shift_right_arithmetic3A_219 = arith.shrsi %broadcast_in_dim3A_216, %shift_right_arithmetic3A_218 : vector<1x512xi32>
    %broadcast_in_dim3A_220 = vector.shape_cast %shift_right_arithmetic3A_219 : vector<1x512xi32> to vector<1x512xi32>
    %broadcast_in_dim3A_221 = vector.broadcast %broadcast_in_dim3A_220 : vector<1x512xi32> to vector<8x512xi32>
    %eq3A_222 = vector.broadcast %iota3A_6 : vector<8x1xi32> to vector<8x512xi32>
    %eq3A_223 = arith.cmpi eq, %broadcast_in_dim3A_221, %eq3A_222 : vector<8x512xi32>
    %convert_element_type3A_224 = arith.extui %eq3A_223 : vector<8x512xi1> to vector<8x512xi32>
    %mul3A_225 = arith.muli %get3A_15, %convert_element_type3A_224 : vector<8x512xi32>
    %reduce_sum3A_226 = arith.constant dense<0> : vector<512xi32>
    %reduce_sum3A_227 = vector.multi_reduction <add>, %mul3A_225, %reduce_sum3A_226 [0] : vector<8x512xi32> to vector<512xi32>
    %broadcast_in_dim3A_228 = vector.shape_cast %reduce_sum3A_227 : vector<512xi32> to vector<1x512xi32>
    %and3A_229 = arith.constant 31 : i32
    %and3A_230 = vector.broadcast %and3A_229 : i32 to vector<1x512xi32>
    %and3A_231 = arith.andi %broadcast_in_dim3A_216, %and3A_230 : vector<1x512xi32>
    %shift_right_logical3A_232 = arith.shrui %broadcast_in_dim3A_228, %and3A_231 : vector<1x512xi32>
    %and3A_233 = arith.constant 1 : i32
    %and3A_234 = vector.broadcast %and3A_233 : i32 to vector<1x512xi32>
    %and3A_235 = arith.andi %shift_right_logical3A_232, %and3A_234 : vector<1x512xi32>
    %shift_right_logical3A_236 = arith.constant 5 : i32
    %shift_right_logical3A_237 = vector.broadcast %shift_right_logical3A_236 : i32 to vector<1x512xi32>
    %shift_right_logical3A_238 = arith.shrui %get3A_18, %shift_right_logical3A_237 : vector<1x512xi32>
    %and3A_239 = arith.constant 1 : i32
    %and3A_240 = vector.broadcast %and3A_239 : i32 to vector<1x512xi32>
    %and3A_241 = arith.andi %shift_right_logical3A_238, %and3A_240 : vector<1x512xi32>
    %select_n3A_242 = arith.select %eq3A_24, %and3A_241, %and3A_235 : vector<1x512xi1>, vector<1x512xi32>
    %shift_right_logical3A_243 = arith.constant 6 : i32
    %shift_right_logical3A_244 = vector.broadcast %shift_right_logical3A_243 : i32 to vector<8x512xi32>
    %shift_right_logical3A_245 = arith.shrui %mul3A_12, %shift_right_logical3A_244 : vector<8x512xi32>
    %and3A_246 = arith.constant 1 : i32
    %and3A_247 = vector.broadcast %and3A_246 : i32 to vector<8x512xi32>
    %and3A_248 = arith.andi %shift_right_logical3A_245, %and3A_247 : vector<8x512xi32>
    %mul3A_249 = vector.broadcast %shift_right_arithmetic3A_5 : vector<8x1xi32> to vector<8x512xi32>
    %mul3A_250 = arith.muli %and3A_248, %mul3A_249 : vector<8x512xi32>
    %reduce_sum3A_251 = arith.constant dense<0> : vector<512xi32>
    %reduce_sum3A_252 = vector.multi_reduction <add>, %mul3A_250, %reduce_sum3A_251 [0] : vector<8x512xi32> to vector<512xi32>
    %broadcast_in_dim3A_253 = vector.shape_cast %reduce_sum3A_252 : vector<512xi32> to vector<1x512xi32>
    %shift_right_arithmetic3A_254 = arith.constant 5 : i32
    %shift_right_arithmetic3A_255 = vector.broadcast %shift_right_arithmetic3A_254 : i32 to vector<1x512xi32>
    %shift_right_arithmetic3A_256 = arith.shrsi %broadcast_in_dim3A_253, %shift_right_arithmetic3A_255 : vector<1x512xi32>
    %broadcast_in_dim3A_257 = vector.shape_cast %shift_right_arithmetic3A_256 : vector<1x512xi32> to vector<1x512xi32>
    %broadcast_in_dim3A_258 = vector.broadcast %broadcast_in_dim3A_257 : vector<1x512xi32> to vector<8x512xi32>
    %eq3A_259 = vector.broadcast %iota3A_6 : vector<8x1xi32> to vector<8x512xi32>
    %eq3A_260 = arith.cmpi eq, %broadcast_in_dim3A_258, %eq3A_259 : vector<8x512xi32>
    %convert_element_type3A_261 = arith.extui %eq3A_260 : vector<8x512xi1> to vector<8x512xi32>
    %mul3A_262 = arith.muli %get3A_15, %convert_element_type3A_261 : vector<8x512xi32>
    %reduce_sum3A_263 = arith.constant dense<0> : vector<512xi32>
    %reduce_sum3A_264 = vector.multi_reduction <add>, %mul3A_262, %reduce_sum3A_263 [0] : vector<8x512xi32> to vector<512xi32>
    %broadcast_in_dim3A_265 = vector.shape_cast %reduce_sum3A_264 : vector<512xi32> to vector<1x512xi32>
    %and3A_266 = arith.constant 31 : i32
    %and3A_267 = vector.broadcast %and3A_266 : i32 to vector<1x512xi32>
    %and3A_268 = arith.andi %broadcast_in_dim3A_253, %and3A_267 : vector<1x512xi32>
    %shift_right_logical3A_269 = arith.shrui %broadcast_in_dim3A_265, %and3A_268 : vector<1x512xi32>
    %and3A_270 = arith.constant 1 : i32
    %and3A_271 = vector.broadcast %and3A_270 : i32 to vector<1x512xi32>
    %and3A_272 = arith.andi %shift_right_logical3A_269, %and3A_271 : vector<1x512xi32>
    %shift_right_logical3A_273 = arith.constant 6 : i32
    %shift_right_logical3A_274 = vector.broadcast %shift_right_logical3A_273 : i32 to vector<1x512xi32>
    %shift_right_logical3A_275 = arith.shrui %get3A_18, %shift_right_logical3A_274 : vector<1x512xi32>
    %and3A_276 = arith.constant 1 : i32
    %and3A_277 = vector.broadcast %and3A_276 : i32 to vector<1x512xi32>
    %and3A_278 = arith.andi %shift_right_logical3A_275, %and3A_277 : vector<1x512xi32>
    %select_n3A_279 = arith.select %eq3A_24, %and3A_278, %and3A_272 : vector<1x512xi1>, vector<1x512xi32>
    %shift_right_logical3A_280 = arith.constant 7 : i32
    %shift_right_logical3A_281 = vector.broadcast %shift_right_logical3A_280 : i32 to vector<8x512xi32>
    %shift_right_logical3A_282 = arith.shrui %mul3A_12, %shift_right_logical3A_281 : vector<8x512xi32>
    %and3A_283 = arith.constant 1 : i32
    %and3A_284 = vector.broadcast %and3A_283 : i32 to vector<8x512xi32>
    %and3A_285 = arith.andi %shift_right_logical3A_282, %and3A_284 : vector<8x512xi32>
    %mul3A_286 = vector.broadcast %shift_right_arithmetic3A_5 : vector<8x1xi32> to vector<8x512xi32>
    %mul3A_287 = arith.muli %and3A_285, %mul3A_286 : vector<8x512xi32>
    %reduce_sum3A_288 = arith.constant dense<0> : vector<512xi32>
    %reduce_sum3A_289 = vector.multi_reduction <add>, %mul3A_287, %reduce_sum3A_288 [0] : vector<8x512xi32> to vector<512xi32>
    %broadcast_in_dim3A_290 = vector.shape_cast %reduce_sum3A_289 : vector<512xi32> to vector<1x512xi32>
    %shift_right_arithmetic3A_291 = arith.constant 5 : i32
    %shift_right_arithmetic3A_292 = vector.broadcast %shift_right_arithmetic3A_291 : i32 to vector<1x512xi32>
    %shift_right_arithmetic3A_293 = arith.shrsi %broadcast_in_dim3A_290, %shift_right_arithmetic3A_292 : vector<1x512xi32>
    %broadcast_in_dim3A_294 = vector.shape_cast %shift_right_arithmetic3A_293 : vector<1x512xi32> to vector<1x512xi32>
    %broadcast_in_dim3A_295 = vector.broadcast %broadcast_in_dim3A_294 : vector<1x512xi32> to vector<8x512xi32>
    %eq3A_296 = vector.broadcast %iota3A_6 : vector<8x1xi32> to vector<8x512xi32>
    %eq3A_297 = arith.cmpi eq, %broadcast_in_dim3A_295, %eq3A_296 : vector<8x512xi32>
    %convert_element_type3A_298 = arith.extui %eq3A_297 : vector<8x512xi1> to vector<8x512xi32>
    %mul3A_299 = arith.muli %get3A_15, %convert_element_type3A_298 : vector<8x512xi32>
    %reduce_sum3A_300 = arith.constant dense<0> : vector<512xi32>
    %reduce_sum3A_301 = vector.multi_reduction <add>, %mul3A_299, %reduce_sum3A_300 [0] : vector<8x512xi32> to vector<512xi32>
    %broadcast_in_dim3A_302 = vector.shape_cast %reduce_sum3A_301 : vector<512xi32> to vector<1x512xi32>
    %and3A_303 = arith.constant 31 : i32
    %and3A_304 = vector.broadcast %and3A_303 : i32 to vector<1x512xi32>
    %and3A_305 = arith.andi %broadcast_in_dim3A_290, %and3A_304 : vector<1x512xi32>
    %shift_right_logical3A_306 = arith.shrui %broadcast_in_dim3A_302, %and3A_305 : vector<1x512xi32>
    %and3A_307 = arith.constant 1 : i32
    %and3A_308 = vector.broadcast %and3A_307 : i32 to vector<1x512xi32>
    %and3A_309 = arith.andi %shift_right_logical3A_306, %and3A_308 : vector<1x512xi32>
    %shift_right_logical3A_310 = arith.constant 7 : i32
    %shift_right_logical3A_311 = vector.broadcast %shift_right_logical3A_310 : i32 to vector<1x512xi32>
    %shift_right_logical3A_312 = arith.shrui %get3A_18, %shift_right_logical3A_311 : vector<1x512xi32>
    %and3A_313 = arith.constant 1 : i32
    %and3A_314 = vector.broadcast %and3A_313 : i32 to vector<1x512xi32>
    %and3A_315 = arith.andi %shift_right_logical3A_312, %and3A_314 : vector<1x512xi32>
    %select_n3A_316 = arith.select %eq3A_24, %and3A_315, %and3A_309 : vector<1x512xi1>, vector<1x512xi32>
    %shift_right_logical3A_317 = arith.constant 8 : i32
    %shift_right_logical3A_318 = vector.broadcast %shift_right_logical3A_317 : i32 to vector<8x512xi32>
    %shift_right_logical3A_319 = arith.shrui %mul3A_12, %shift_right_logical3A_318 : vector<8x512xi32>
    %and3A_320 = arith.constant 1 : i32
    %and3A_321 = vector.broadcast %and3A_320 : i32 to vector<8x512xi32>
    %and3A_322 = arith.andi %shift_right_logical3A_319, %and3A_321 : vector<8x512xi32>
    %mul3A_323 = vector.broadcast %shift_right_arithmetic3A_5 : vector<8x1xi32> to vector<8x512xi32>
    %mul3A_324 = arith.muli %and3A_322, %mul3A_323 : vector<8x512xi32>
    %reduce_sum3A_325 = arith.constant dense<0> : vector<512xi32>
    %reduce_sum3A_326 = vector.multi_reduction <add>, %mul3A_324, %reduce_sum3A_325 [0] : vector<8x512xi32> to vector<512xi32>
    %broadcast_in_dim3A_327 = vector.shape_cast %reduce_sum3A_326 : vector<512xi32> to vector<1x512xi32>
    %shift_right_arithmetic3A_328 = arith.constant 5 : i32
    %shift_right_arithmetic3A_329 = vector.broadcast %shift_right_arithmetic3A_328 : i32 to vector<1x512xi32>
    %shift_right_arithmetic3A_330 = arith.shrsi %broadcast_in_dim3A_327, %shift_right_arithmetic3A_329 : vector<1x512xi32>
    %broadcast_in_dim3A_331 = vector.shape_cast %shift_right_arithmetic3A_330 : vector<1x512xi32> to vector<1x512xi32>
    %broadcast_in_dim3A_332 = vector.broadcast %broadcast_in_dim3A_331 : vector<1x512xi32> to vector<8x512xi32>
    %eq3A_333 = vector.broadcast %iota3A_6 : vector<8x1xi32> to vector<8x512xi32>
    %eq3A_334 = arith.cmpi eq, %broadcast_in_dim3A_332, %eq3A_333 : vector<8x512xi32>
    %convert_element_type3A_335 = arith.extui %eq3A_334 : vector<8x512xi1> to vector<8x512xi32>
    %mul3A_336 = arith.muli %get3A_15, %convert_element_type3A_335 : vector<8x512xi32>
    %reduce_sum3A_337 = arith.constant dense<0> : vector<512xi32>
    %reduce_sum3A_338 = vector.multi_reduction <add>, %mul3A_336, %reduce_sum3A_337 [0] : vector<8x512xi32> to vector<512xi32>
    %broadcast_in_dim3A_339 = vector.shape_cast %reduce_sum3A_338 : vector<512xi32> to vector<1x512xi32>
    %and3A_340 = arith.constant 31 : i32
    %and3A_341 = vector.broadcast %and3A_340 : i32 to vector<1x512xi32>
    %and3A_342 = arith.andi %broadcast_in_dim3A_327, %and3A_341 : vector<1x512xi32>
    %shift_right_logical3A_343 = arith.shrui %broadcast_in_dim3A_339, %and3A_342 : vector<1x512xi32>
    %and3A_344 = arith.constant 1 : i32
    %and3A_345 = vector.broadcast %and3A_344 : i32 to vector<1x512xi32>
    %and3A_346 = arith.andi %shift_right_logical3A_343, %and3A_345 : vector<1x512xi32>
    %shift_right_logical3A_347 = arith.constant 8 : i32
    %shift_right_logical3A_348 = vector.broadcast %shift_right_logical3A_347 : i32 to vector<1x512xi32>
    %shift_right_logical3A_349 = arith.shrui %get3A_18, %shift_right_logical3A_348 : vector<1x512xi32>
    %and3A_350 = arith.constant 1 : i32
    %and3A_351 = vector.broadcast %and3A_350 : i32 to vector<1x512xi32>
    %and3A_352 = arith.andi %shift_right_logical3A_349, %and3A_351 : vector<1x512xi32>
    %select_n3A_353 = arith.select %eq3A_24, %and3A_352, %and3A_346 : vector<1x512xi1>, vector<1x512xi32>
    %shift_right_logical3A_354 = arith.constant 9 : i32
    %shift_right_logical3A_355 = vector.broadcast %shift_right_logical3A_354 : i32 to vector<8x512xi32>
    %shift_right_logical3A_356 = arith.shrui %mul3A_12, %shift_right_logical3A_355 : vector<8x512xi32>
    %and3A_357 = arith.constant 1 : i32
    %and3A_358 = vector.broadcast %and3A_357 : i32 to vector<8x512xi32>
    %and3A_359 = arith.andi %shift_right_logical3A_356, %and3A_358 : vector<8x512xi32>
    %mul3A_360 = vector.broadcast %shift_right_arithmetic3A_5 : vector<8x1xi32> to vector<8x512xi32>
    %mul3A_361 = arith.muli %and3A_359, %mul3A_360 : vector<8x512xi32>
    %reduce_sum3A_362 = arith.constant dense<0> : vector<512xi32>
    %reduce_sum3A_363 = vector.multi_reduction <add>, %mul3A_361, %reduce_sum3A_362 [0] : vector<8x512xi32> to vector<512xi32>
    %broadcast_in_dim3A_364 = vector.shape_cast %reduce_sum3A_363 : vector<512xi32> to vector<1x512xi32>
    %shift_right_arithmetic3A_365 = arith.constant 5 : i32
    %shift_right_arithmetic3A_366 = vector.broadcast %shift_right_arithmetic3A_365 : i32 to vector<1x512xi32>
    %shift_right_arithmetic3A_367 = arith.shrsi %broadcast_in_dim3A_364, %shift_right_arithmetic3A_366 : vector<1x512xi32>
    %broadcast_in_dim3A_368 = vector.shape_cast %shift_right_arithmetic3A_367 : vector<1x512xi32> to vector<1x512xi32>
    %broadcast_in_dim3A_369 = vector.broadcast %broadcast_in_dim3A_368 : vector<1x512xi32> to vector<8x512xi32>
    %eq3A_370 = vector.broadcast %iota3A_6 : vector<8x1xi32> to vector<8x512xi32>
    %eq3A_371 = arith.cmpi eq, %broadcast_in_dim3A_369, %eq3A_370 : vector<8x512xi32>
    %convert_element_type3A_372 = arith.extui %eq3A_371 : vector<8x512xi1> to vector<8x512xi32>
    %mul3A_373 = arith.muli %get3A_15, %convert_element_type3A_372 : vector<8x512xi32>
    %reduce_sum3A_374 = arith.constant dense<0> : vector<512xi32>
    %reduce_sum3A_375 = vector.multi_reduction <add>, %mul3A_373, %reduce_sum3A_374 [0] : vector<8x512xi32> to vector<512xi32>
    %broadcast_in_dim3A_376 = vector.shape_cast %reduce_sum3A_375 : vector<512xi32> to vector<1x512xi32>
    %and3A_377 = arith.constant 31 : i32
    %and3A_378 = vector.broadcast %and3A_377 : i32 to vector<1x512xi32>
    %and3A_379 = arith.andi %broadcast_in_dim3A_364, %and3A_378 : vector<1x512xi32>
    %shift_right_logical3A_380 = arith.shrui %broadcast_in_dim3A_376, %and3A_379 : vector<1x512xi32>
    %and3A_381 = arith.constant 1 : i32
    %and3A_382 = vector.broadcast %and3A_381 : i32 to vector<1x512xi32>
    %and3A_383 = arith.andi %shift_right_logical3A_380, %and3A_382 : vector<1x512xi32>
    %shift_right_logical3A_384 = arith.constant 9 : i32
    %shift_right_logical3A_385 = vector.broadcast %shift_right_logical3A_384 : i32 to vector<1x512xi32>
    %shift_right_logical3A_386 = arith.shrui %get3A_18, %shift_right_logical3A_385 : vector<1x512xi32>
    %and3A_387 = arith.constant 1 : i32
    %and3A_388 = vector.broadcast %and3A_387 : i32 to vector<1x512xi32>
    %and3A_389 = arith.andi %shift_right_logical3A_386, %and3A_388 : vector<1x512xi32>
    %select_n3A_390 = arith.select %eq3A_24, %and3A_389, %and3A_383 : vector<1x512xi1>, vector<1x512xi32>
    %shift_right_logical3A_391 = arith.constant 10 : i32
    %shift_right_logical3A_392 = vector.broadcast %shift_right_logical3A_391 : i32 to vector<8x512xi32>
    %shift_right_logical3A_393 = arith.shrui %mul3A_12, %shift_right_logical3A_392 : vector<8x512xi32>
    %and3A_394 = arith.constant 1 : i32
    %and3A_395 = vector.broadcast %and3A_394 : i32 to vector<8x512xi32>
    %and3A_396 = arith.andi %shift_right_logical3A_393, %and3A_395 : vector<8x512xi32>
    %mul3A_397 = vector.broadcast %shift_right_arithmetic3A_5 : vector<8x1xi32> to vector<8x512xi32>
    %mul3A_398 = arith.muli %and3A_396, %mul3A_397 : vector<8x512xi32>
    %reduce_sum3A_399 = arith.constant dense<0> : vector<512xi32>
    %reduce_sum3A_400 = vector.multi_reduction <add>, %mul3A_398, %reduce_sum3A_399 [0] : vector<8x512xi32> to vector<512xi32>
    %broadcast_in_dim3A_401 = vector.shape_cast %reduce_sum3A_400 : vector<512xi32> to vector<1x512xi32>
    %shift_right_arithmetic3A_402 = arith.constant 5 : i32
    %shift_right_arithmetic3A_403 = vector.broadcast %shift_right_arithmetic3A_402 : i32 to vector<1x512xi32>
    %shift_right_arithmetic3A_404 = arith.shrsi %broadcast_in_dim3A_401, %shift_right_arithmetic3A_403 : vector<1x512xi32>
    %broadcast_in_dim3A_405 = vector.shape_cast %shift_right_arithmetic3A_404 : vector<1x512xi32> to vector<1x512xi32>
    %broadcast_in_dim3A_406 = vector.broadcast %broadcast_in_dim3A_405 : vector<1x512xi32> to vector<8x512xi32>
    %eq3A_407 = vector.broadcast %iota3A_6 : vector<8x1xi32> to vector<8x512xi32>
    %eq3A_408 = arith.cmpi eq, %broadcast_in_dim3A_406, %eq3A_407 : vector<8x512xi32>
    %convert_element_type3A_409 = arith.extui %eq3A_408 : vector<8x512xi1> to vector<8x512xi32>
    %mul3A_410 = arith.muli %get3A_15, %convert_element_type3A_409 : vector<8x512xi32>
    %reduce_sum3A_411 = arith.constant dense<0> : vector<512xi32>
    %reduce_sum3A_412 = vector.multi_reduction <add>, %mul3A_410, %reduce_sum3A_411 [0] : vector<8x512xi32> to vector<512xi32>
    %broadcast_in_dim3A_413 = vector.shape_cast %reduce_sum3A_412 : vector<512xi32> to vector<1x512xi32>
    %and3A_414 = arith.constant 31 : i32
    %and3A_415 = vector.broadcast %and3A_414 : i32 to vector<1x512xi32>
    %and3A_416 = arith.andi %broadcast_in_dim3A_401, %and3A_415 : vector<1x512xi32>
    %shift_right_logical3A_417 = arith.shrui %broadcast_in_dim3A_413, %and3A_416 : vector<1x512xi32>
    %and3A_418 = arith.constant 1 : i32
    %and3A_419 = vector.broadcast %and3A_418 : i32 to vector<1x512xi32>
    %and3A_420 = arith.andi %shift_right_logical3A_417, %and3A_419 : vector<1x512xi32>
    %shift_right_logical3A_421 = arith.constant 10 : i32
    %shift_right_logical3A_422 = vector.broadcast %shift_right_logical3A_421 : i32 to vector<1x512xi32>
    %shift_right_logical3A_423 = arith.shrui %get3A_18, %shift_right_logical3A_422 : vector<1x512xi32>
    %and3A_424 = arith.constant 1 : i32
    %and3A_425 = vector.broadcast %and3A_424 : i32 to vector<1x512xi32>
    %and3A_426 = arith.andi %shift_right_logical3A_423, %and3A_425 : vector<1x512xi32>
    %select_n3A_427 = arith.select %eq3A_24, %and3A_426, %and3A_420 : vector<1x512xi1>, vector<1x512xi32>
    %shift_right_logical3A_428 = arith.constant 11 : i32
    %shift_right_logical3A_429 = vector.broadcast %shift_right_logical3A_428 : i32 to vector<8x512xi32>
    %shift_right_logical3A_430 = arith.shrui %mul3A_12, %shift_right_logical3A_429 : vector<8x512xi32>
    %and3A_431 = arith.constant 1 : i32
    %and3A_432 = vector.broadcast %and3A_431 : i32 to vector<8x512xi32>
    %and3A_433 = arith.andi %shift_right_logical3A_430, %and3A_432 : vector<8x512xi32>
    %mul3A_434 = vector.broadcast %shift_right_arithmetic3A_5 : vector<8x1xi32> to vector<8x512xi32>
    %mul3A_435 = arith.muli %and3A_433, %mul3A_434 : vector<8x512xi32>
    %reduce_sum3A_436 = arith.constant dense<0> : vector<512xi32>
    %reduce_sum3A_437 = vector.multi_reduction <add>, %mul3A_435, %reduce_sum3A_436 [0] : vector<8x512xi32> to vector<512xi32>
    %broadcast_in_dim3A_438 = vector.shape_cast %reduce_sum3A_437 : vector<512xi32> to vector<1x512xi32>
    %shift_right_arithmetic3A_439 = arith.constant 5 : i32
    %shift_right_arithmetic3A_440 = vector.broadcast %shift_right_arithmetic3A_439 : i32 to vector<1x512xi32>
    %shift_right_arithmetic3A_441 = arith.shrsi %broadcast_in_dim3A_438, %shift_right_arithmetic3A_440 : vector<1x512xi32>
    %broadcast_in_dim3A_442 = vector.shape_cast %shift_right_arithmetic3A_441 : vector<1x512xi32> to vector<1x512xi32>
    %broadcast_in_dim3A_443 = vector.broadcast %broadcast_in_dim3A_442 : vector<1x512xi32> to vector<8x512xi32>
    %eq3A_444 = vector.broadcast %iota3A_6 : vector<8x1xi32> to vector<8x512xi32>
    %eq3A_445 = arith.cmpi eq, %broadcast_in_dim3A_443, %eq3A_444 : vector<8x512xi32>
    %convert_element_type3A_446 = arith.extui %eq3A_445 : vector<8x512xi1> to vector<8x512xi32>
    %mul3A_447 = arith.muli %get3A_15, %convert_element_type3A_446 : vector<8x512xi32>
    %reduce_sum3A_448 = arith.constant dense<0> : vector<512xi32>
    %reduce_sum3A_449 = vector.multi_reduction <add>, %mul3A_447, %reduce_sum3A_448 [0] : vector<8x512xi32> to vector<512xi32>
    %broadcast_in_dim3A_450 = vector.shape_cast %reduce_sum3A_449 : vector<512xi32> to vector<1x512xi32>
    %and3A_451 = arith.constant 31 : i32
    %and3A_452 = vector.broadcast %and3A_451 : i32 to vector<1x512xi32>
    %and3A_453 = arith.andi %broadcast_in_dim3A_438, %and3A_452 : vector<1x512xi32>
    %shift_right_logical3A_454 = arith.shrui %broadcast_in_dim3A_450, %and3A_453 : vector<1x512xi32>
    %and3A_455 = arith.constant 1 : i32
    %and3A_456 = vector.broadcast %and3A_455 : i32 to vector<1x512xi32>
    %and3A_457 = arith.andi %shift_right_logical3A_454, %and3A_456 : vector<1x512xi32>
    %shift_right_logical3A_458 = arith.constant 11 : i32
    %shift_right_logical3A_459 = vector.broadcast %shift_right_logical3A_458 : i32 to vector<1x512xi32>
    %shift_right_logical3A_460 = arith.shrui %get3A_18, %shift_right_logical3A_459 : vector<1x512xi32>
    %and3A_461 = arith.constant 1 : i32
    %and3A_462 = vector.broadcast %and3A_461 : i32 to vector<1x512xi32>
    %and3A_463 = arith.andi %shift_right_logical3A_460, %and3A_462 : vector<1x512xi32>
    %select_n3A_464 = arith.select %eq3A_24, %and3A_463, %and3A_457 : vector<1x512xi1>, vector<1x512xi32>
    %shift_right_logical3A_465 = arith.constant 12 : i32
    %shift_right_logical3A_466 = vector.broadcast %shift_right_logical3A_465 : i32 to vector<8x512xi32>
    %shift_right_logical3A_467 = arith.shrui %mul3A_12, %shift_right_logical3A_466 : vector<8x512xi32>
    %and3A_468 = arith.constant 1 : i32
    %and3A_469 = vector.broadcast %and3A_468 : i32 to vector<8x512xi32>
    %and3A_470 = arith.andi %shift_right_logical3A_467, %and3A_469 : vector<8x512xi32>
    %mul3A_471 = vector.broadcast %shift_right_arithmetic3A_5 : vector<8x1xi32> to vector<8x512xi32>
    %mul3A_472 = arith.muli %and3A_470, %mul3A_471 : vector<8x512xi32>
    %reduce_sum3A_473 = arith.constant dense<0> : vector<512xi32>
    %reduce_sum3A_474 = vector.multi_reduction <add>, %mul3A_472, %reduce_sum3A_473 [0] : vector<8x512xi32> to vector<512xi32>
    %broadcast_in_dim3A_475 = vector.shape_cast %reduce_sum3A_474 : vector<512xi32> to vector<1x512xi32>
    %shift_right_arithmetic3A_476 = arith.constant 5 : i32
    %shift_right_arithmetic3A_477 = vector.broadcast %shift_right_arithmetic3A_476 : i32 to vector<1x512xi32>
    %shift_right_arithmetic3A_478 = arith.shrsi %broadcast_in_dim3A_475, %shift_right_arithmetic3A_477 : vector<1x512xi32>
    %broadcast_in_dim3A_479 = vector.shape_cast %shift_right_arithmetic3A_478 : vector<1x512xi32> to vector<1x512xi32>
    %broadcast_in_dim3A_480 = vector.broadcast %broadcast_in_dim3A_479 : vector<1x512xi32> to vector<8x512xi32>
    %eq3A_481 = vector.broadcast %iota3A_6 : vector<8x1xi32> to vector<8x512xi32>
    %eq3A_482 = arith.cmpi eq, %broadcast_in_dim3A_480, %eq3A_481 : vector<8x512xi32>
    %convert_element_type3A_483 = arith.extui %eq3A_482 : vector<8x512xi1> to vector<8x512xi32>
    %mul3A_484 = arith.muli %get3A_15, %convert_element_type3A_483 : vector<8x512xi32>
    %reduce_sum3A_485 = arith.constant dense<0> : vector<512xi32>
    %reduce_sum3A_486 = vector.multi_reduction <add>, %mul3A_484, %reduce_sum3A_485 [0] : vector<8x512xi32> to vector<512xi32>
    %broadcast_in_dim3A_487 = vector.shape_cast %reduce_sum3A_486 : vector<512xi32> to vector<1x512xi32>
    %and3A_488 = arith.constant 31 : i32
    %and3A_489 = vector.broadcast %and3A_488 : i32 to vector<1x512xi32>
    %and3A_490 = arith.andi %broadcast_in_dim3A_475, %and3A_489 : vector<1x512xi32>
    %shift_right_logical3A_491 = arith.shrui %broadcast_in_dim3A_487, %and3A_490 : vector<1x512xi32>
    %and3A_492 = arith.constant 1 : i32
    %and3A_493 = vector.broadcast %and3A_492 : i32 to vector<1x512xi32>
    %and3A_494 = arith.andi %shift_right_logical3A_491, %and3A_493 : vector<1x512xi32>
    %shift_right_logical3A_495 = arith.constant 12 : i32
    %shift_right_logical3A_496 = vector.broadcast %shift_right_logical3A_495 : i32 to vector<1x512xi32>
    %shift_right_logical3A_497 = arith.shrui %get3A_18, %shift_right_logical3A_496 : vector<1x512xi32>
    %and3A_498 = arith.constant 1 : i32
    %and3A_499 = vector.broadcast %and3A_498 : i32 to vector<1x512xi32>
    %and3A_500 = arith.andi %shift_right_logical3A_497, %and3A_499 : vector<1x512xi32>
    %select_n3A_501 = arith.select %eq3A_24, %and3A_500, %and3A_494 : vector<1x512xi1>, vector<1x512xi32>
    %shift_right_logical3A_502 = arith.constant 13 : i32
    %shift_right_logical3A_503 = vector.broadcast %shift_right_logical3A_502 : i32 to vector<8x512xi32>
    %shift_right_logical3A_504 = arith.shrui %mul3A_12, %shift_right_logical3A_503 : vector<8x512xi32>
    %and3A_505 = arith.constant 1 : i32
    %and3A_506 = vector.broadcast %and3A_505 : i32 to vector<8x512xi32>
    %and3A_507 = arith.andi %shift_right_logical3A_504, %and3A_506 : vector<8x512xi32>
    %mul3A_508 = vector.broadcast %shift_right_arithmetic3A_5 : vector<8x1xi32> to vector<8x512xi32>
    %mul3A_509 = arith.muli %and3A_507, %mul3A_508 : vector<8x512xi32>
    %reduce_sum3A_510 = arith.constant dense<0> : vector<512xi32>
    %reduce_sum3A_511 = vector.multi_reduction <add>, %mul3A_509, %reduce_sum3A_510 [0] : vector<8x512xi32> to vector<512xi32>
    %broadcast_in_dim3A_512 = vector.shape_cast %reduce_sum3A_511 : vector<512xi32> to vector<1x512xi32>
    %shift_right_arithmetic3A_513 = arith.constant 5 : i32
    %shift_right_arithmetic3A_514 = vector.broadcast %shift_right_arithmetic3A_513 : i32 to vector<1x512xi32>
    %shift_right_arithmetic3A_515 = arith.shrsi %broadcast_in_dim3A_512, %shift_right_arithmetic3A_514 : vector<1x512xi32>
    %broadcast_in_dim3A_516 = vector.shape_cast %shift_right_arithmetic3A_515 : vector<1x512xi32> to vector<1x512xi32>
    %broadcast_in_dim3A_517 = vector.broadcast %broadcast_in_dim3A_516 : vector<1x512xi32> to vector<8x512xi32>
    %eq3A_518 = vector.broadcast %iota3A_6 : vector<8x1xi32> to vector<8x512xi32>
    %eq3A_519 = arith.cmpi eq, %broadcast_in_dim3A_517, %eq3A_518 : vector<8x512xi32>
    %convert_element_type3A_520 = arith.extui %eq3A_519 : vector<8x512xi1> to vector<8x512xi32>
    %mul3A_521 = arith.muli %get3A_15, %convert_element_type3A_520 : vector<8x512xi32>
    %reduce_sum3A_522 = arith.constant dense<0> : vector<512xi32>
    %reduce_sum3A_523 = vector.multi_reduction <add>, %mul3A_521, %reduce_sum3A_522 [0] : vector<8x512xi32> to vector<512xi32>
    %broadcast_in_dim3A_524 = vector.shape_cast %reduce_sum3A_523 : vector<512xi32> to vector<1x512xi32>
    %and3A_525 = arith.constant 31 : i32
    %and3A_526 = vector.broadcast %and3A_525 : i32 to vector<1x512xi32>
    %and3A_527 = arith.andi %broadcast_in_dim3A_512, %and3A_526 : vector<1x512xi32>
    %shift_right_logical3A_528 = arith.shrui %broadcast_in_dim3A_524, %and3A_527 : vector<1x512xi32>
    %and3A_529 = arith.constant 1 : i32
    %and3A_530 = vector.broadcast %and3A_529 : i32 to vector<1x512xi32>
    %and3A_531 = arith.andi %shift_right_logical3A_528, %and3A_530 : vector<1x512xi32>
    %shift_right_logical3A_532 = arith.constant 13 : i32
    %shift_right_logical3A_533 = vector.broadcast %shift_right_logical3A_532 : i32 to vector<1x512xi32>
    %shift_right_logical3A_534 = arith.shrui %get3A_18, %shift_right_logical3A_533 : vector<1x512xi32>
    %and3A_535 = arith.constant 1 : i32
    %and3A_536 = vector.broadcast %and3A_535 : i32 to vector<1x512xi32>
    %and3A_537 = arith.andi %shift_right_logical3A_534, %and3A_536 : vector<1x512xi32>
    %select_n3A_538 = arith.select %eq3A_24, %and3A_537, %and3A_531 : vector<1x512xi1>, vector<1x512xi32>
    %shift_right_logical3A_539 = arith.constant 14 : i32
    %shift_right_logical3A_540 = vector.broadcast %shift_right_logical3A_539 : i32 to vector<8x512xi32>
    %shift_right_logical3A_541 = arith.shrui %mul3A_12, %shift_right_logical3A_540 : vector<8x512xi32>
    %and3A_542 = arith.constant 1 : i32
    %and3A_543 = vector.broadcast %and3A_542 : i32 to vector<8x512xi32>
    %and3A_544 = arith.andi %shift_right_logical3A_541, %and3A_543 : vector<8x512xi32>
    %mul3A_545 = vector.broadcast %shift_right_arithmetic3A_5 : vector<8x1xi32> to vector<8x512xi32>
    %mul3A_546 = arith.muli %and3A_544, %mul3A_545 : vector<8x512xi32>
    %reduce_sum3A_547 = arith.constant dense<0> : vector<512xi32>
    %reduce_sum3A_548 = vector.multi_reduction <add>, %mul3A_546, %reduce_sum3A_547 [0] : vector<8x512xi32> to vector<512xi32>
    %broadcast_in_dim3A_549 = vector.shape_cast %reduce_sum3A_548 : vector<512xi32> to vector<1x512xi32>
    %shift_right_arithmetic3A_550 = arith.constant 5 : i32
    %shift_right_arithmetic3A_551 = vector.broadcast %shift_right_arithmetic3A_550 : i32 to vector<1x512xi32>
    %shift_right_arithmetic3A_552 = arith.shrsi %broadcast_in_dim3A_549, %shift_right_arithmetic3A_551 : vector<1x512xi32>
    %broadcast_in_dim3A_553 = vector.shape_cast %shift_right_arithmetic3A_552 : vector<1x512xi32> to vector<1x512xi32>
    %broadcast_in_dim3A_554 = vector.broadcast %broadcast_in_dim3A_553 : vector<1x512xi32> to vector<8x512xi32>
    %eq3A_555 = vector.broadcast %iota3A_6 : vector<8x1xi32> to vector<8x512xi32>
    %eq3A_556 = arith.cmpi eq, %broadcast_in_dim3A_554, %eq3A_555 : vector<8x512xi32>
    %convert_element_type3A_557 = arith.extui %eq3A_556 : vector<8x512xi1> to vector<8x512xi32>
    %mul3A_558 = arith.muli %get3A_15, %convert_element_type3A_557 : vector<8x512xi32>
    %reduce_sum3A_559 = arith.constant dense<0> : vector<512xi32>
    %reduce_sum3A_560 = vector.multi_reduction <add>, %mul3A_558, %reduce_sum3A_559 [0] : vector<8x512xi32> to vector<512xi32>
    %broadcast_in_dim3A_561 = vector.shape_cast %reduce_sum3A_560 : vector<512xi32> to vector<1x512xi32>
    %and3A_562 = arith.constant 31 : i32
    %and3A_563 = vector.broadcast %and3A_562 : i32 to vector<1x512xi32>
    %and3A_564 = arith.andi %broadcast_in_dim3A_549, %and3A_563 : vector<1x512xi32>
    %shift_right_logical3A_565 = arith.shrui %broadcast_in_dim3A_561, %and3A_564 : vector<1x512xi32>
    %and3A_566 = arith.constant 1 : i32
    %and3A_567 = vector.broadcast %and3A_566 : i32 to vector<1x512xi32>
    %and3A_568 = arith.andi %shift_right_logical3A_565, %and3A_567 : vector<1x512xi32>
    %shift_right_logical3A_569 = arith.constant 14 : i32
    %shift_right_logical3A_570 = vector.broadcast %shift_right_logical3A_569 : i32 to vector<1x512xi32>
    %shift_right_logical3A_571 = arith.shrui %get3A_18, %shift_right_logical3A_570 : vector<1x512xi32>
    %and3A_572 = arith.constant 1 : i32
    %and3A_573 = vector.broadcast %and3A_572 : i32 to vector<1x512xi32>
    %and3A_574 = arith.andi %shift_right_logical3A_571, %and3A_573 : vector<1x512xi32>
    %select_n3A_575 = arith.select %eq3A_24, %and3A_574, %and3A_568 : vector<1x512xi1>, vector<1x512xi32>
    %shift_right_logical3A_576 = arith.constant 15 : i32
    %shift_right_logical3A_577 = vector.broadcast %shift_right_logical3A_576 : i32 to vector<8x512xi32>
    %shift_right_logical3A_578 = arith.shrui %mul3A_12, %shift_right_logical3A_577 : vector<8x512xi32>
    %and3A_579 = arith.constant 1 : i32
    %and3A_580 = vector.broadcast %and3A_579 : i32 to vector<8x512xi32>
    %and3A_581 = arith.andi %shift_right_logical3A_578, %and3A_580 : vector<8x512xi32>
    %mul3A_582 = vector.broadcast %shift_right_arithmetic3A_5 : vector<8x1xi32> to vector<8x512xi32>
    %mul3A_583 = arith.muli %and3A_581, %mul3A_582 : vector<8x512xi32>
    %reduce_sum3A_584 = arith.constant dense<0> : vector<512xi32>
    %reduce_sum3A_585 = vector.multi_reduction <add>, %mul3A_583, %reduce_sum3A_584 [0] : vector<8x512xi32> to vector<512xi32>
    %broadcast_in_dim3A_586 = vector.shape_cast %reduce_sum3A_585 : vector<512xi32> to vector<1x512xi32>
    %shift_right_arithmetic3A_587 = arith.constant 5 : i32
    %shift_right_arithmetic3A_588 = vector.broadcast %shift_right_arithmetic3A_587 : i32 to vector<1x512xi32>
    %shift_right_arithmetic3A_589 = arith.shrsi %broadcast_in_dim3A_586, %shift_right_arithmetic3A_588 : vector<1x512xi32>
    %broadcast_in_dim3A_590 = vector.shape_cast %shift_right_arithmetic3A_589 : vector<1x512xi32> to vector<1x512xi32>
    %broadcast_in_dim3A_591 = vector.broadcast %broadcast_in_dim3A_590 : vector<1x512xi32> to vector<8x512xi32>
    %eq3A_592 = vector.broadcast %iota3A_6 : vector<8x1xi32> to vector<8x512xi32>
    %eq3A_593 = arith.cmpi eq, %broadcast_in_dim3A_591, %eq3A_592 : vector<8x512xi32>
    %convert_element_type3A_594 = arith.extui %eq3A_593 : vector<8x512xi1> to vector<8x512xi32>
    %mul3A_595 = arith.muli %get3A_15, %convert_element_type3A_594 : vector<8x512xi32>
    %reduce_sum3A_596 = arith.constant dense<0> : vector<512xi32>
    %reduce_sum3A_597 = vector.multi_reduction <add>, %mul3A_595, %reduce_sum3A_596 [0] : vector<8x512xi32> to vector<512xi32>
    %broadcast_in_dim3A_598 = vector.shape_cast %reduce_sum3A_597 : vector<512xi32> to vector<1x512xi32>
    %and3A_599 = arith.constant 31 : i32
    %and3A_600 = vector.broadcast %and3A_599 : i32 to vector<1x512xi32>
    %and3A_601 = arith.andi %broadcast_in_dim3A_586, %and3A_600 : vector<1x512xi32>
    %shift_right_logical3A_602 = arith.shrui %broadcast_in_dim3A_598, %and3A_601 : vector<1x512xi32>
    %and3A_603 = arith.constant 1 : i32
    %and3A_604 = vector.broadcast %and3A_603 : i32 to vector<1x512xi32>
    %and3A_605 = arith.andi %shift_right_logical3A_602, %and3A_604 : vector<1x512xi32>
    %shift_right_logical3A_606 = arith.constant 15 : i32
    %shift_right_logical3A_607 = vector.broadcast %shift_right_logical3A_606 : i32 to vector<1x512xi32>
    %shift_right_logical3A_608 = arith.shrui %get3A_18, %shift_right_logical3A_607 : vector<1x512xi32>
    %and3A_609 = arith.constant 1 : i32
    %and3A_610 = vector.broadcast %and3A_609 : i32 to vector<1x512xi32>
    %and3A_611 = arith.andi %shift_right_logical3A_608, %and3A_610 : vector<1x512xi32>
    %select_n3A_612 = arith.select %eq3A_24, %and3A_611, %and3A_605 : vector<1x512xi1>, vector<1x512xi32>
    %shift_right_logical3A_613 = arith.constant 16 : i32
    %shift_right_logical3A_614 = vector.broadcast %shift_right_logical3A_613 : i32 to vector<8x512xi32>
    %shift_right_logical3A_615 = arith.shrui %mul3A_12, %shift_right_logical3A_614 : vector<8x512xi32>
    %and3A_616 = arith.constant 1 : i32
    %and3A_617 = vector.broadcast %and3A_616 : i32 to vector<8x512xi32>
    %and3A_618 = arith.andi %shift_right_logical3A_615, %and3A_617 : vector<8x512xi32>
    %mul3A_619 = vector.broadcast %shift_right_arithmetic3A_5 : vector<8x1xi32> to vector<8x512xi32>
    %mul3A_620 = arith.muli %and3A_618, %mul3A_619 : vector<8x512xi32>
    %reduce_sum3A_621 = arith.constant dense<0> : vector<512xi32>
    %reduce_sum3A_622 = vector.multi_reduction <add>, %mul3A_620, %reduce_sum3A_621 [0] : vector<8x512xi32> to vector<512xi32>
    %broadcast_in_dim3A_623 = vector.shape_cast %reduce_sum3A_622 : vector<512xi32> to vector<1x512xi32>
    %shift_right_arithmetic3A_624 = arith.constant 5 : i32
    %shift_right_arithmetic3A_625 = vector.broadcast %shift_right_arithmetic3A_624 : i32 to vector<1x512xi32>
    %shift_right_arithmetic3A_626 = arith.shrsi %broadcast_in_dim3A_623, %shift_right_arithmetic3A_625 : vector<1x512xi32>
    %broadcast_in_dim3A_627 = vector.shape_cast %shift_right_arithmetic3A_626 : vector<1x512xi32> to vector<1x512xi32>
    %broadcast_in_dim3A_628 = vector.broadcast %broadcast_in_dim3A_627 : vector<1x512xi32> to vector<8x512xi32>
    %eq3A_629 = vector.broadcast %iota3A_6 : vector<8x1xi32> to vector<8x512xi32>
    %eq3A_630 = arith.cmpi eq, %broadcast_in_dim3A_628, %eq3A_629 : vector<8x512xi32>
    %convert_element_type3A_631 = arith.extui %eq3A_630 : vector<8x512xi1> to vector<8x512xi32>
    %mul3A_632 = arith.muli %get3A_15, %convert_element_type3A_631 : vector<8x512xi32>
    %reduce_sum3A_633 = arith.constant dense<0> : vector<512xi32>
    %reduce_sum3A_634 = vector.multi_reduction <add>, %mul3A_632, %reduce_sum3A_633 [0] : vector<8x512xi32> to vector<512xi32>
    %broadcast_in_dim3A_635 = vector.shape_cast %reduce_sum3A_634 : vector<512xi32> to vector<1x512xi32>
    %and3A_636 = arith.constant 31 : i32
    %and3A_637 = vector.broadcast %and3A_636 : i32 to vector<1x512xi32>
    %and3A_638 = arith.andi %broadcast_in_dim3A_623, %and3A_637 : vector<1x512xi32>
    %shift_right_logical3A_639 = arith.shrui %broadcast_in_dim3A_635, %and3A_638 : vector<1x512xi32>
    %and3A_640 = arith.constant 1 : i32
    %and3A_641 = vector.broadcast %and3A_640 : i32 to vector<1x512xi32>
    %and3A_642 = arith.andi %shift_right_logical3A_639, %and3A_641 : vector<1x512xi32>
    %shift_right_logical3A_643 = arith.constant 16 : i32
    %shift_right_logical3A_644 = vector.broadcast %shift_right_logical3A_643 : i32 to vector<1x512xi32>
    %shift_right_logical3A_645 = arith.shrui %get3A_18, %shift_right_logical3A_644 : vector<1x512xi32>
    %and3A_646 = arith.constant 1 : i32
    %and3A_647 = vector.broadcast %and3A_646 : i32 to vector<1x512xi32>
    %and3A_648 = arith.andi %shift_right_logical3A_645, %and3A_647 : vector<1x512xi32>
    %select_n3A_649 = arith.select %eq3A_24, %and3A_648, %and3A_642 : vector<1x512xi1>, vector<1x512xi32>
    %shift_right_logical3A_650 = arith.constant 17 : i32
    %shift_right_logical3A_651 = vector.broadcast %shift_right_logical3A_650 : i32 to vector<8x512xi32>
    %shift_right_logical3A_652 = arith.shrui %mul3A_12, %shift_right_logical3A_651 : vector<8x512xi32>
    %and3A_653 = arith.constant 1 : i32
    %and3A_654 = vector.broadcast %and3A_653 : i32 to vector<8x512xi32>
    %and3A_655 = arith.andi %shift_right_logical3A_652, %and3A_654 : vector<8x512xi32>
    %mul3A_656 = vector.broadcast %shift_right_arithmetic3A_5 : vector<8x1xi32> to vector<8x512xi32>
    %mul3A_657 = arith.muli %and3A_655, %mul3A_656 : vector<8x512xi32>
    %reduce_sum3A_658 = arith.constant dense<0> : vector<512xi32>
    %reduce_sum3A_659 = vector.multi_reduction <add>, %mul3A_657, %reduce_sum3A_658 [0] : vector<8x512xi32> to vector<512xi32>
    %broadcast_in_dim3A_660 = vector.shape_cast %reduce_sum3A_659 : vector<512xi32> to vector<1x512xi32>
    %shift_right_arithmetic3A_661 = arith.constant 5 : i32
    %shift_right_arithmetic3A_662 = vector.broadcast %shift_right_arithmetic3A_661 : i32 to vector<1x512xi32>
    %shift_right_arithmetic3A_663 = arith.shrsi %broadcast_in_dim3A_660, %shift_right_arithmetic3A_662 : vector<1x512xi32>
    %broadcast_in_dim3A_664 = vector.shape_cast %shift_right_arithmetic3A_663 : vector<1x512xi32> to vector<1x512xi32>
    %broadcast_in_dim3A_665 = vector.broadcast %broadcast_in_dim3A_664 : vector<1x512xi32> to vector<8x512xi32>
    %eq3A_666 = vector.broadcast %iota3A_6 : vector<8x1xi32> to vector<8x512xi32>
    %eq3A_667 = arith.cmpi eq, %broadcast_in_dim3A_665, %eq3A_666 : vector<8x512xi32>
    %convert_element_type3A_668 = arith.extui %eq3A_667 : vector<8x512xi1> to vector<8x512xi32>
    %mul3A_669 = arith.muli %get3A_15, %convert_element_type3A_668 : vector<8x512xi32>
    %reduce_sum3A_670 = arith.constant dense<0> : vector<512xi32>
    %reduce_sum3A_671 = vector.multi_reduction <add>, %mul3A_669, %reduce_sum3A_670 [0] : vector<8x512xi32> to vector<512xi32>
    %broadcast_in_dim3A_672 = vector.shape_cast %reduce_sum3A_671 : vector<512xi32> to vector<1x512xi32>
    %and3A_673 = arith.constant 31 : i32
    %and3A_674 = vector.broadcast %and3A_673 : i32 to vector<1x512xi32>
    %and3A_675 = arith.andi %broadcast_in_dim3A_660, %and3A_674 : vector<1x512xi32>
    %shift_right_logical3A_676 = arith.shrui %broadcast_in_dim3A_672, %and3A_675 : vector<1x512xi32>
    %and3A_677 = arith.constant 1 : i32
    %and3A_678 = vector.broadcast %and3A_677 : i32 to vector<1x512xi32>
    %and3A_679 = arith.andi %shift_right_logical3A_676, %and3A_678 : vector<1x512xi32>
    %shift_right_logical3A_680 = arith.constant 17 : i32
    %shift_right_logical3A_681 = vector.broadcast %shift_right_logical3A_680 : i32 to vector<1x512xi32>
    %shift_right_logical3A_682 = arith.shrui %get3A_18, %shift_right_logical3A_681 : vector<1x512xi32>
    %and3A_683 = arith.constant 1 : i32
    %and3A_684 = vector.broadcast %and3A_683 : i32 to vector<1x512xi32>
    %and3A_685 = arith.andi %shift_right_logical3A_682, %and3A_684 : vector<1x512xi32>
    %select_n3A_686 = arith.select %eq3A_24, %and3A_685, %and3A_679 : vector<1x512xi1>, vector<1x512xi32>
    %shift_right_logical3A_687 = arith.constant 18 : i32
    %shift_right_logical3A_688 = vector.broadcast %shift_right_logical3A_687 : i32 to vector<8x512xi32>
    %shift_right_logical3A_689 = arith.shrui %mul3A_12, %shift_right_logical3A_688 : vector<8x512xi32>
    %and3A_690 = arith.constant 1 : i32
    %and3A_691 = vector.broadcast %and3A_690 : i32 to vector<8x512xi32>
    %and3A_692 = arith.andi %shift_right_logical3A_689, %and3A_691 : vector<8x512xi32>
    %mul3A_693 = vector.broadcast %shift_right_arithmetic3A_5 : vector<8x1xi32> to vector<8x512xi32>
    %mul3A_694 = arith.muli %and3A_692, %mul3A_693 : vector<8x512xi32>
    %reduce_sum3A_695 = arith.constant dense<0> : vector<512xi32>
    %reduce_sum3A_696 = vector.multi_reduction <add>, %mul3A_694, %reduce_sum3A_695 [0] : vector<8x512xi32> to vector<512xi32>
    %broadcast_in_dim3A_697 = vector.shape_cast %reduce_sum3A_696 : vector<512xi32> to vector<1x512xi32>
    %shift_right_arithmetic3A_698 = arith.constant 5 : i32
    %shift_right_arithmetic3A_699 = vector.broadcast %shift_right_arithmetic3A_698 : i32 to vector<1x512xi32>
    %shift_right_arithmetic3A_700 = arith.shrsi %broadcast_in_dim3A_697, %shift_right_arithmetic3A_699 : vector<1x512xi32>
    %broadcast_in_dim3A_701 = vector.shape_cast %shift_right_arithmetic3A_700 : vector<1x512xi32> to vector<1x512xi32>
    %broadcast_in_dim3A_702 = vector.broadcast %broadcast_in_dim3A_701 : vector<1x512xi32> to vector<8x512xi32>
    %eq3A_703 = vector.broadcast %iota3A_6 : vector<8x1xi32> to vector<8x512xi32>
    %eq3A_704 = arith.cmpi eq, %broadcast_in_dim3A_702, %eq3A_703 : vector<8x512xi32>
    %convert_element_type3A_705 = arith.extui %eq3A_704 : vector<8x512xi1> to vector<8x512xi32>
    %mul3A_706 = arith.muli %get3A_15, %convert_element_type3A_705 : vector<8x512xi32>
    %reduce_sum3A_707 = arith.constant dense<0> : vector<512xi32>
    %reduce_sum3A_708 = vector.multi_reduction <add>, %mul3A_706, %reduce_sum3A_707 [0] : vector<8x512xi32> to vector<512xi32>
    %broadcast_in_dim3A_709 = vector.shape_cast %reduce_sum3A_708 : vector<512xi32> to vector<1x512xi32>
    %and3A_710 = arith.constant 31 : i32
    %and3A_711 = vector.broadcast %and3A_710 : i32 to vector<1x512xi32>
    %and3A_712 = arith.andi %broadcast_in_dim3A_697, %and3A_711 : vector<1x512xi32>
    %shift_right_logical3A_713 = arith.shrui %broadcast_in_dim3A_709, %and3A_712 : vector<1x512xi32>
    %and3A_714 = arith.constant 1 : i32
    %and3A_715 = vector.broadcast %and3A_714 : i32 to vector<1x512xi32>
    %and3A_716 = arith.andi %shift_right_logical3A_713, %and3A_715 : vector<1x512xi32>
    %shift_right_logical3A_717 = arith.constant 18 : i32
    %shift_right_logical3A_718 = vector.broadcast %shift_right_logical3A_717 : i32 to vector<1x512xi32>
    %shift_right_logical3A_719 = arith.shrui %get3A_18, %shift_right_logical3A_718 : vector<1x512xi32>
    %and3A_720 = arith.constant 1 : i32
    %and3A_721 = vector.broadcast %and3A_720 : i32 to vector<1x512xi32>
    %and3A_722 = arith.andi %shift_right_logical3A_719, %and3A_721 : vector<1x512xi32>
    %select_n3A_723 = arith.select %eq3A_24, %and3A_722, %and3A_716 : vector<1x512xi1>, vector<1x512xi32>
    %shift_right_logical3A_724 = arith.constant 19 : i32
    %shift_right_logical3A_725 = vector.broadcast %shift_right_logical3A_724 : i32 to vector<8x512xi32>
    %shift_right_logical3A_726 = arith.shrui %mul3A_12, %shift_right_logical3A_725 : vector<8x512xi32>
    %and3A_727 = arith.constant 1 : i32
    %and3A_728 = vector.broadcast %and3A_727 : i32 to vector<8x512xi32>
    %and3A_729 = arith.andi %shift_right_logical3A_726, %and3A_728 : vector<8x512xi32>
    %mul3A_730 = vector.broadcast %shift_right_arithmetic3A_5 : vector<8x1xi32> to vector<8x512xi32>
    %mul3A_731 = arith.muli %and3A_729, %mul3A_730 : vector<8x512xi32>
    %reduce_sum3A_732 = arith.constant dense<0> : vector<512xi32>
    %reduce_sum3A_733 = vector.multi_reduction <add>, %mul3A_731, %reduce_sum3A_732 [0] : vector<8x512xi32> to vector<512xi32>
    %broadcast_in_dim3A_734 = vector.shape_cast %reduce_sum3A_733 : vector<512xi32> to vector<1x512xi32>
    %shift_right_arithmetic3A_735 = arith.constant 5 : i32
    %shift_right_arithmetic3A_736 = vector.broadcast %shift_right_arithmetic3A_735 : i32 to vector<1x512xi32>
    %shift_right_arithmetic3A_737 = arith.shrsi %broadcast_in_dim3A_734, %shift_right_arithmetic3A_736 : vector<1x512xi32>
    %broadcast_in_dim3A_738 = vector.shape_cast %shift_right_arithmetic3A_737 : vector<1x512xi32> to vector<1x512xi32>
    %broadcast_in_dim3A_739 = vector.broadcast %broadcast_in_dim3A_738 : vector<1x512xi32> to vector<8x512xi32>
    %eq3A_740 = vector.broadcast %iota3A_6 : vector<8x1xi32> to vector<8x512xi32>
    %eq3A_741 = arith.cmpi eq, %broadcast_in_dim3A_739, %eq3A_740 : vector<8x512xi32>
    %convert_element_type3A_742 = arith.extui %eq3A_741 : vector<8x512xi1> to vector<8x512xi32>
    %mul3A_743 = arith.muli %get3A_15, %convert_element_type3A_742 : vector<8x512xi32>
    %reduce_sum3A_744 = arith.constant dense<0> : vector<512xi32>
    %reduce_sum3A_745 = vector.multi_reduction <add>, %mul3A_743, %reduce_sum3A_744 [0] : vector<8x512xi32> to vector<512xi32>
    %broadcast_in_dim3A_746 = vector.shape_cast %reduce_sum3A_745 : vector<512xi32> to vector<1x512xi32>
    %and3A_747 = arith.constant 31 : i32
    %and3A_748 = vector.broadcast %and3A_747 : i32 to vector<1x512xi32>
    %and3A_749 = arith.andi %broadcast_in_dim3A_734, %and3A_748 : vector<1x512xi32>
    %shift_right_logical3A_750 = arith.shrui %broadcast_in_dim3A_746, %and3A_749 : vector<1x512xi32>
    %and3A_751 = arith.constant 1 : i32
    %and3A_752 = vector.broadcast %and3A_751 : i32 to vector<1x512xi32>
    %and3A_753 = arith.andi %shift_right_logical3A_750, %and3A_752 : vector<1x512xi32>
    %shift_right_logical3A_754 = arith.constant 19 : i32
    %shift_right_logical3A_755 = vector.broadcast %shift_right_logical3A_754 : i32 to vector<1x512xi32>
    %shift_right_logical3A_756 = arith.shrui %get3A_18, %shift_right_logical3A_755 : vector<1x512xi32>
    %and3A_757 = arith.constant 1 : i32
    %and3A_758 = vector.broadcast %and3A_757 : i32 to vector<1x512xi32>
    %and3A_759 = arith.andi %shift_right_logical3A_756, %and3A_758 : vector<1x512xi32>
    %select_n3A_760 = arith.select %eq3A_24, %and3A_759, %and3A_753 : vector<1x512xi1>, vector<1x512xi32>
    %shift_right_logical3A_761 = arith.constant 20 : i32
    %shift_right_logical3A_762 = vector.broadcast %shift_right_logical3A_761 : i32 to vector<8x512xi32>
    %shift_right_logical3A_763 = arith.shrui %mul3A_12, %shift_right_logical3A_762 : vector<8x512xi32>
    %and3A_764 = arith.constant 1 : i32
    %and3A_765 = vector.broadcast %and3A_764 : i32 to vector<8x512xi32>
    %and3A_766 = arith.andi %shift_right_logical3A_763, %and3A_765 : vector<8x512xi32>
    %mul3A_767 = vector.broadcast %shift_right_arithmetic3A_5 : vector<8x1xi32> to vector<8x512xi32>
    %mul3A_768 = arith.muli %and3A_766, %mul3A_767 : vector<8x512xi32>
    %reduce_sum3A_769 = arith.constant dense<0> : vector<512xi32>
    %reduce_sum3A_770 = vector.multi_reduction <add>, %mul3A_768, %reduce_sum3A_769 [0] : vector<8x512xi32> to vector<512xi32>
    %broadcast_in_dim3A_771 = vector.shape_cast %reduce_sum3A_770 : vector<512xi32> to vector<1x512xi32>
    %shift_right_arithmetic3A_772 = arith.constant 5 : i32
    %shift_right_arithmetic3A_773 = vector.broadcast %shift_right_arithmetic3A_772 : i32 to vector<1x512xi32>
    %shift_right_arithmetic3A_774 = arith.shrsi %broadcast_in_dim3A_771, %shift_right_arithmetic3A_773 : vector<1x512xi32>
    %broadcast_in_dim3A_775 = vector.shape_cast %shift_right_arithmetic3A_774 : vector<1x512xi32> to vector<1x512xi32>
    %broadcast_in_dim3A_776 = vector.broadcast %broadcast_in_dim3A_775 : vector<1x512xi32> to vector<8x512xi32>
    %eq3A_777 = vector.broadcast %iota3A_6 : vector<8x1xi32> to vector<8x512xi32>
    %eq3A_778 = arith.cmpi eq, %broadcast_in_dim3A_776, %eq3A_777 : vector<8x512xi32>
    %convert_element_type3A_779 = arith.extui %eq3A_778 : vector<8x512xi1> to vector<8x512xi32>
    %mul3A_780 = arith.muli %get3A_15, %convert_element_type3A_779 : vector<8x512xi32>
    %reduce_sum3A_781 = arith.constant dense<0> : vector<512xi32>
    %reduce_sum3A_782 = vector.multi_reduction <add>, %mul3A_780, %reduce_sum3A_781 [0] : vector<8x512xi32> to vector<512xi32>
    %broadcast_in_dim3A_783 = vector.shape_cast %reduce_sum3A_782 : vector<512xi32> to vector<1x512xi32>
    %and3A_784 = arith.constant 31 : i32
    %and3A_785 = vector.broadcast %and3A_784 : i32 to vector<1x512xi32>
    %and3A_786 = arith.andi %broadcast_in_dim3A_771, %and3A_785 : vector<1x512xi32>
    %shift_right_logical3A_787 = arith.shrui %broadcast_in_dim3A_783, %and3A_786 : vector<1x512xi32>
    %and3A_788 = arith.constant 1 : i32
    %and3A_789 = vector.broadcast %and3A_788 : i32 to vector<1x512xi32>
    %and3A_790 = arith.andi %shift_right_logical3A_787, %and3A_789 : vector<1x512xi32>
    %shift_right_logical3A_791 = arith.constant 20 : i32
    %shift_right_logical3A_792 = vector.broadcast %shift_right_logical3A_791 : i32 to vector<1x512xi32>
    %shift_right_logical3A_793 = arith.shrui %get3A_18, %shift_right_logical3A_792 : vector<1x512xi32>
    %and3A_794 = arith.constant 1 : i32
    %and3A_795 = vector.broadcast %and3A_794 : i32 to vector<1x512xi32>
    %and3A_796 = arith.andi %shift_right_logical3A_793, %and3A_795 : vector<1x512xi32>
    %select_n3A_797 = arith.select %eq3A_24, %and3A_796, %and3A_790 : vector<1x512xi1>, vector<1x512xi32>
    %shift_right_logical3A_798 = arith.constant 21 : i32
    %shift_right_logical3A_799 = vector.broadcast %shift_right_logical3A_798 : i32 to vector<8x512xi32>
    %shift_right_logical3A_800 = arith.shrui %mul3A_12, %shift_right_logical3A_799 : vector<8x512xi32>
    %and3A_801 = arith.constant 1 : i32
    %and3A_802 = vector.broadcast %and3A_801 : i32 to vector<8x512xi32>
    %and3A_803 = arith.andi %shift_right_logical3A_800, %and3A_802 : vector<8x512xi32>
    %mul3A_804 = vector.broadcast %shift_right_arithmetic3A_5 : vector<8x1xi32> to vector<8x512xi32>
    %mul3A_805 = arith.muli %and3A_803, %mul3A_804 : vector<8x512xi32>
    %reduce_sum3A_806 = arith.constant dense<0> : vector<512xi32>
    %reduce_sum3A_807 = vector.multi_reduction <add>, %mul3A_805, %reduce_sum3A_806 [0] : vector<8x512xi32> to vector<512xi32>
    %broadcast_in_dim3A_808 = vector.shape_cast %reduce_sum3A_807 : vector<512xi32> to vector<1x512xi32>
    %shift_right_arithmetic3A_809 = arith.constant 5 : i32
    %shift_right_arithmetic3A_810 = vector.broadcast %shift_right_arithmetic3A_809 : i32 to vector<1x512xi32>
    %shift_right_arithmetic3A_811 = arith.shrsi %broadcast_in_dim3A_808, %shift_right_arithmetic3A_810 : vector<1x512xi32>
    %broadcast_in_dim3A_812 = vector.shape_cast %shift_right_arithmetic3A_811 : vector<1x512xi32> to vector<1x512xi32>
    %broadcast_in_dim3A_813 = vector.broadcast %broadcast_in_dim3A_812 : vector<1x512xi32> to vector<8x512xi32>
    %eq3A_814 = vector.broadcast %iota3A_6 : vector<8x1xi32> to vector<8x512xi32>
    %eq3A_815 = arith.cmpi eq, %broadcast_in_dim3A_813, %eq3A_814 : vector<8x512xi32>
    %convert_element_type3A_816 = arith.extui %eq3A_815 : vector<8x512xi1> to vector<8x512xi32>
    %mul3A_817 = arith.muli %get3A_15, %convert_element_type3A_816 : vector<8x512xi32>
    %reduce_sum3A_818 = arith.constant dense<0> : vector<512xi32>
    %reduce_sum3A_819 = vector.multi_reduction <add>, %mul3A_817, %reduce_sum3A_818 [0] : vector<8x512xi32> to vector<512xi32>
    %broadcast_in_dim3A_820 = vector.shape_cast %reduce_sum3A_819 : vector<512xi32> to vector<1x512xi32>
    %and3A_821 = arith.constant 31 : i32
    %and3A_822 = vector.broadcast %and3A_821 : i32 to vector<1x512xi32>
    %and3A_823 = arith.andi %broadcast_in_dim3A_808, %and3A_822 : vector<1x512xi32>
    %shift_right_logical3A_824 = arith.shrui %broadcast_in_dim3A_820, %and3A_823 : vector<1x512xi32>
    %and3A_825 = arith.constant 1 : i32
    %and3A_826 = vector.broadcast %and3A_825 : i32 to vector<1x512xi32>
    %and3A_827 = arith.andi %shift_right_logical3A_824, %and3A_826 : vector<1x512xi32>
    %shift_right_logical3A_828 = arith.constant 21 : i32
    %shift_right_logical3A_829 = vector.broadcast %shift_right_logical3A_828 : i32 to vector<1x512xi32>
    %shift_right_logical3A_830 = arith.shrui %get3A_18, %shift_right_logical3A_829 : vector<1x512xi32>
    %and3A_831 = arith.constant 1 : i32
    %and3A_832 = vector.broadcast %and3A_831 : i32 to vector<1x512xi32>
    %and3A_833 = arith.andi %shift_right_logical3A_830, %and3A_832 : vector<1x512xi32>
    %select_n3A_834 = arith.select %eq3A_24, %and3A_833, %and3A_827 : vector<1x512xi1>, vector<1x512xi32>
    %shift_right_logical3A_835 = arith.constant 22 : i32
    %shift_right_logical3A_836 = vector.broadcast %shift_right_logical3A_835 : i32 to vector<8x512xi32>
    %shift_right_logical3A_837 = arith.shrui %mul3A_12, %shift_right_logical3A_836 : vector<8x512xi32>
    %and3A_838 = arith.constant 1 : i32
    %and3A_839 = vector.broadcast %and3A_838 : i32 to vector<8x512xi32>
    %and3A_840 = arith.andi %shift_right_logical3A_837, %and3A_839 : vector<8x512xi32>
    %mul3A_841 = vector.broadcast %shift_right_arithmetic3A_5 : vector<8x1xi32> to vector<8x512xi32>
    %mul3A_842 = arith.muli %and3A_840, %mul3A_841 : vector<8x512xi32>
    %reduce_sum3A_843 = arith.constant dense<0> : vector<512xi32>
    %reduce_sum3A_844 = vector.multi_reduction <add>, %mul3A_842, %reduce_sum3A_843 [0] : vector<8x512xi32> to vector<512xi32>
    %broadcast_in_dim3A_845 = vector.shape_cast %reduce_sum3A_844 : vector<512xi32> to vector<1x512xi32>
    %shift_right_arithmetic3A_846 = arith.constant 5 : i32
    %shift_right_arithmetic3A_847 = vector.broadcast %shift_right_arithmetic3A_846 : i32 to vector<1x512xi32>
    %shift_right_arithmetic3A_848 = arith.shrsi %broadcast_in_dim3A_845, %shift_right_arithmetic3A_847 : vector<1x512xi32>
    %broadcast_in_dim3A_849 = vector.shape_cast %shift_right_arithmetic3A_848 : vector<1x512xi32> to vector<1x512xi32>
    %broadcast_in_dim3A_850 = vector.broadcast %broadcast_in_dim3A_849 : vector<1x512xi32> to vector<8x512xi32>
    %eq3A_851 = vector.broadcast %iota3A_6 : vector<8x1xi32> to vector<8x512xi32>
    %eq3A_852 = arith.cmpi eq, %broadcast_in_dim3A_850, %eq3A_851 : vector<8x512xi32>
    %convert_element_type3A_853 = arith.extui %eq3A_852 : vector<8x512xi1> to vector<8x512xi32>
    %mul3A_854 = arith.muli %get3A_15, %convert_element_type3A_853 : vector<8x512xi32>
    %reduce_sum3A_855 = arith.constant dense<0> : vector<512xi32>
    %reduce_sum3A_856 = vector.multi_reduction <add>, %mul3A_854, %reduce_sum3A_855 [0] : vector<8x512xi32> to vector<512xi32>
    %broadcast_in_dim3A_857 = vector.shape_cast %reduce_sum3A_856 : vector<512xi32> to vector<1x512xi32>
    %and3A_858 = arith.constant 31 : i32
    %and3A_859 = vector.broadcast %and3A_858 : i32 to vector<1x512xi32>
    %and3A_860 = arith.andi %broadcast_in_dim3A_845, %and3A_859 : vector<1x512xi32>
    %shift_right_logical3A_861 = arith.shrui %broadcast_in_dim3A_857, %and3A_860 : vector<1x512xi32>
    %and3A_862 = arith.constant 1 : i32
    %and3A_863 = vector.broadcast %and3A_862 : i32 to vector<1x512xi32>
    %and3A_864 = arith.andi %shift_right_logical3A_861, %and3A_863 : vector<1x512xi32>
    %shift_right_logical3A_865 = arith.constant 22 : i32
    %shift_right_logical3A_866 = vector.broadcast %shift_right_logical3A_865 : i32 to vector<1x512xi32>
    %shift_right_logical3A_867 = arith.shrui %get3A_18, %shift_right_logical3A_866 : vector<1x512xi32>
    %and3A_868 = arith.constant 1 : i32
    %and3A_869 = vector.broadcast %and3A_868 : i32 to vector<1x512xi32>
    %and3A_870 = arith.andi %shift_right_logical3A_867, %and3A_869 : vector<1x512xi32>
    %select_n3A_871 = arith.select %eq3A_24, %and3A_870, %and3A_864 : vector<1x512xi1>, vector<1x512xi32>
    %shift_right_logical3A_872 = arith.constant 23 : i32
    %shift_right_logical3A_873 = vector.broadcast %shift_right_logical3A_872 : i32 to vector<8x512xi32>
    %shift_right_logical3A_874 = arith.shrui %mul3A_12, %shift_right_logical3A_873 : vector<8x512xi32>
    %and3A_875 = arith.constant 1 : i32
    %and3A_876 = vector.broadcast %and3A_875 : i32 to vector<8x512xi32>
    %and3A_877 = arith.andi %shift_right_logical3A_874, %and3A_876 : vector<8x512xi32>
    %mul3A_878 = vector.broadcast %shift_right_arithmetic3A_5 : vector<8x1xi32> to vector<8x512xi32>
    %mul3A_879 = arith.muli %and3A_877, %mul3A_878 : vector<8x512xi32>
    %reduce_sum3A_880 = arith.constant dense<0> : vector<512xi32>
    %reduce_sum3A_881 = vector.multi_reduction <add>, %mul3A_879, %reduce_sum3A_880 [0] : vector<8x512xi32> to vector<512xi32>
    %broadcast_in_dim3A_882 = vector.shape_cast %reduce_sum3A_881 : vector<512xi32> to vector<1x512xi32>
    %shift_right_arithmetic3A_883 = arith.constant 5 : i32
    %shift_right_arithmetic3A_884 = vector.broadcast %shift_right_arithmetic3A_883 : i32 to vector<1x512xi32>
    %shift_right_arithmetic3A_885 = arith.shrsi %broadcast_in_dim3A_882, %shift_right_arithmetic3A_884 : vector<1x512xi32>
    %broadcast_in_dim3A_886 = vector.shape_cast %shift_right_arithmetic3A_885 : vector<1x512xi32> to vector<1x512xi32>
    %broadcast_in_dim3A_887 = vector.broadcast %broadcast_in_dim3A_886 : vector<1x512xi32> to vector<8x512xi32>
    %eq3A_888 = vector.broadcast %iota3A_6 : vector<8x1xi32> to vector<8x512xi32>
    %eq3A_889 = arith.cmpi eq, %broadcast_in_dim3A_887, %eq3A_888 : vector<8x512xi32>
    %convert_element_type3A_890 = arith.extui %eq3A_889 : vector<8x512xi1> to vector<8x512xi32>
    %mul3A_891 = arith.muli %get3A_15, %convert_element_type3A_890 : vector<8x512xi32>
    %reduce_sum3A_892 = arith.constant dense<0> : vector<512xi32>
    %reduce_sum3A_893 = vector.multi_reduction <add>, %mul3A_891, %reduce_sum3A_892 [0] : vector<8x512xi32> to vector<512xi32>
    %broadcast_in_dim3A_894 = vector.shape_cast %reduce_sum3A_893 : vector<512xi32> to vector<1x512xi32>
    %and3A_895 = arith.constant 31 : i32
    %and3A_896 = vector.broadcast %and3A_895 : i32 to vector<1x512xi32>
    %and3A_897 = arith.andi %broadcast_in_dim3A_882, %and3A_896 : vector<1x512xi32>
    %shift_right_logical3A_898 = arith.shrui %broadcast_in_dim3A_894, %and3A_897 : vector<1x512xi32>
    %and3A_899 = arith.constant 1 : i32
    %and3A_900 = vector.broadcast %and3A_899 : i32 to vector<1x512xi32>
    %and3A_901 = arith.andi %shift_right_logical3A_898, %and3A_900 : vector<1x512xi32>
    %shift_right_logical3A_902 = arith.constant 23 : i32
    %shift_right_logical3A_903 = vector.broadcast %shift_right_logical3A_902 : i32 to vector<1x512xi32>
    %shift_right_logical3A_904 = arith.shrui %get3A_18, %shift_right_logical3A_903 : vector<1x512xi32>
    %and3A_905 = arith.constant 1 : i32
    %and3A_906 = vector.broadcast %and3A_905 : i32 to vector<1x512xi32>
    %and3A_907 = arith.andi %shift_right_logical3A_904, %and3A_906 : vector<1x512xi32>
    %select_n3A_908 = arith.select %eq3A_24, %and3A_907, %and3A_901 : vector<1x512xi1>, vector<1x512xi32>
    %shift_right_logical3A_909 = arith.constant 24 : i32
    %shift_right_logical3A_910 = vector.broadcast %shift_right_logical3A_909 : i32 to vector<8x512xi32>
    %shift_right_logical3A_911 = arith.shrui %mul3A_12, %shift_right_logical3A_910 : vector<8x512xi32>
    %and3A_912 = arith.constant 1 : i32
    %and3A_913 = vector.broadcast %and3A_912 : i32 to vector<8x512xi32>
    %and3A_914 = arith.andi %shift_right_logical3A_911, %and3A_913 : vector<8x512xi32>
    %mul3A_915 = vector.broadcast %shift_right_arithmetic3A_5 : vector<8x1xi32> to vector<8x512xi32>
    %mul3A_916 = arith.muli %and3A_914, %mul3A_915 : vector<8x512xi32>
    %reduce_sum3A_917 = arith.constant dense<0> : vector<512xi32>
    %reduce_sum3A_918 = vector.multi_reduction <add>, %mul3A_916, %reduce_sum3A_917 [0] : vector<8x512xi32> to vector<512xi32>
    %broadcast_in_dim3A_919 = vector.shape_cast %reduce_sum3A_918 : vector<512xi32> to vector<1x512xi32>
    %shift_right_arithmetic3A_920 = arith.constant 5 : i32
    %shift_right_arithmetic3A_921 = vector.broadcast %shift_right_arithmetic3A_920 : i32 to vector<1x512xi32>
    %shift_right_arithmetic3A_922 = arith.shrsi %broadcast_in_dim3A_919, %shift_right_arithmetic3A_921 : vector<1x512xi32>
    %broadcast_in_dim3A_923 = vector.shape_cast %shift_right_arithmetic3A_922 : vector<1x512xi32> to vector<1x512xi32>
    %broadcast_in_dim3A_924 = vector.broadcast %broadcast_in_dim3A_923 : vector<1x512xi32> to vector<8x512xi32>
    %eq3A_925 = vector.broadcast %iota3A_6 : vector<8x1xi32> to vector<8x512xi32>
    %eq3A_926 = arith.cmpi eq, %broadcast_in_dim3A_924, %eq3A_925 : vector<8x512xi32>
    %convert_element_type3A_927 = arith.extui %eq3A_926 : vector<8x512xi1> to vector<8x512xi32>
    %mul3A_928 = arith.muli %get3A_15, %convert_element_type3A_927 : vector<8x512xi32>
    %reduce_sum3A_929 = arith.constant dense<0> : vector<512xi32>
    %reduce_sum3A_930 = vector.multi_reduction <add>, %mul3A_928, %reduce_sum3A_929 [0] : vector<8x512xi32> to vector<512xi32>
    %broadcast_in_dim3A_931 = vector.shape_cast %reduce_sum3A_930 : vector<512xi32> to vector<1x512xi32>
    %and3A_932 = arith.constant 31 : i32
    %and3A_933 = vector.broadcast %and3A_932 : i32 to vector<1x512xi32>
    %and3A_934 = arith.andi %broadcast_in_dim3A_919, %and3A_933 : vector<1x512xi32>
    %shift_right_logical3A_935 = arith.shrui %broadcast_in_dim3A_931, %and3A_934 : vector<1x512xi32>
    %and3A_936 = arith.constant 1 : i32
    %and3A_937 = vector.broadcast %and3A_936 : i32 to vector<1x512xi32>
    %and3A_938 = arith.andi %shift_right_logical3A_935, %and3A_937 : vector<1x512xi32>
    %shift_right_logical3A_939 = arith.constant 24 : i32
    %shift_right_logical3A_940 = vector.broadcast %shift_right_logical3A_939 : i32 to vector<1x512xi32>
    %shift_right_logical3A_941 = arith.shrui %get3A_18, %shift_right_logical3A_940 : vector<1x512xi32>
    %and3A_942 = arith.constant 1 : i32
    %and3A_943 = vector.broadcast %and3A_942 : i32 to vector<1x512xi32>
    %and3A_944 = arith.andi %shift_right_logical3A_941, %and3A_943 : vector<1x512xi32>
    %select_n3A_945 = arith.select %eq3A_24, %and3A_944, %and3A_938 : vector<1x512xi1>, vector<1x512xi32>
    %shift_right_logical3A_946 = arith.constant 25 : i32
    %shift_right_logical3A_947 = vector.broadcast %shift_right_logical3A_946 : i32 to vector<8x512xi32>
    %shift_right_logical3A_948 = arith.shrui %mul3A_12, %shift_right_logical3A_947 : vector<8x512xi32>
    %and3A_949 = arith.constant 1 : i32
    %and3A_950 = vector.broadcast %and3A_949 : i32 to vector<8x512xi32>
    %and3A_951 = arith.andi %shift_right_logical3A_948, %and3A_950 : vector<8x512xi32>
    %mul3A_952 = vector.broadcast %shift_right_arithmetic3A_5 : vector<8x1xi32> to vector<8x512xi32>
    %mul3A_953 = arith.muli %and3A_951, %mul3A_952 : vector<8x512xi32>
    %reduce_sum3A_954 = arith.constant dense<0> : vector<512xi32>
    %reduce_sum3A_955 = vector.multi_reduction <add>, %mul3A_953, %reduce_sum3A_954 [0] : vector<8x512xi32> to vector<512xi32>
    %broadcast_in_dim3A_956 = vector.shape_cast %reduce_sum3A_955 : vector<512xi32> to vector<1x512xi32>
    %shift_right_arithmetic3A_957 = arith.constant 5 : i32
    %shift_right_arithmetic3A_958 = vector.broadcast %shift_right_arithmetic3A_957 : i32 to vector<1x512xi32>
    %shift_right_arithmetic3A_959 = arith.shrsi %broadcast_in_dim3A_956, %shift_right_arithmetic3A_958 : vector<1x512xi32>
    %broadcast_in_dim3A_960 = vector.shape_cast %shift_right_arithmetic3A_959 : vector<1x512xi32> to vector<1x512xi32>
    %broadcast_in_dim3A_961 = vector.broadcast %broadcast_in_dim3A_960 : vector<1x512xi32> to vector<8x512xi32>
    %eq3A_962 = vector.broadcast %iota3A_6 : vector<8x1xi32> to vector<8x512xi32>
    %eq3A_963 = arith.cmpi eq, %broadcast_in_dim3A_961, %eq3A_962 : vector<8x512xi32>
    %convert_element_type3A_964 = arith.extui %eq3A_963 : vector<8x512xi1> to vector<8x512xi32>
    %mul3A_965 = arith.muli %get3A_15, %convert_element_type3A_964 : vector<8x512xi32>
    %reduce_sum3A_966 = arith.constant dense<0> : vector<512xi32>
    %reduce_sum3A_967 = vector.multi_reduction <add>, %mul3A_965, %reduce_sum3A_966 [0] : vector<8x512xi32> to vector<512xi32>
    %broadcast_in_dim3A_968 = vector.shape_cast %reduce_sum3A_967 : vector<512xi32> to vector<1x512xi32>
    %and3A_969 = arith.constant 31 : i32
    %and3A_970 = vector.broadcast %and3A_969 : i32 to vector<1x512xi32>
    %and3A_971 = arith.andi %broadcast_in_dim3A_956, %and3A_970 : vector<1x512xi32>
    %shift_right_logical3A_972 = arith.shrui %broadcast_in_dim3A_968, %and3A_971 : vector<1x512xi32>
    %and3A_973 = arith.constant 1 : i32
    %and3A_974 = vector.broadcast %and3A_973 : i32 to vector<1x512xi32>
    %and3A_975 = arith.andi %shift_right_logical3A_972, %and3A_974 : vector<1x512xi32>
    %shift_right_logical3A_976 = arith.constant 25 : i32
    %shift_right_logical3A_977 = vector.broadcast %shift_right_logical3A_976 : i32 to vector<1x512xi32>
    %shift_right_logical3A_978 = arith.shrui %get3A_18, %shift_right_logical3A_977 : vector<1x512xi32>
    %and3A_979 = arith.constant 1 : i32
    %and3A_980 = vector.broadcast %and3A_979 : i32 to vector<1x512xi32>
    %and3A_981 = arith.andi %shift_right_logical3A_978, %and3A_980 : vector<1x512xi32>
    %select_n3A_982 = arith.select %eq3A_24, %and3A_981, %and3A_975 : vector<1x512xi1>, vector<1x512xi32>
    %shift_right_logical3A_983 = arith.constant 26 : i32
    %shift_right_logical3A_984 = vector.broadcast %shift_right_logical3A_983 : i32 to vector<8x512xi32>
    %shift_right_logical3A_985 = arith.shrui %mul3A_12, %shift_right_logical3A_984 : vector<8x512xi32>
    %and3A_986 = arith.constant 1 : i32
    %and3A_987 = vector.broadcast %and3A_986 : i32 to vector<8x512xi32>
    %and3A_988 = arith.andi %shift_right_logical3A_985, %and3A_987 : vector<8x512xi32>
    %mul3A_989 = vector.broadcast %shift_right_arithmetic3A_5 : vector<8x1xi32> to vector<8x512xi32>
    %mul3A_990 = arith.muli %and3A_988, %mul3A_989 : vector<8x512xi32>
    %reduce_sum3A_991 = arith.constant dense<0> : vector<512xi32>
    %reduce_sum3A_992 = vector.multi_reduction <add>, %mul3A_990, %reduce_sum3A_991 [0] : vector<8x512xi32> to vector<512xi32>
    %broadcast_in_dim3A_993 = vector.shape_cast %reduce_sum3A_992 : vector<512xi32> to vector<1x512xi32>
    %shift_right_arithmetic3A_994 = arith.constant 5 : i32
    %shift_right_arithmetic3A_995 = vector.broadcast %shift_right_arithmetic3A_994 : i32 to vector<1x512xi32>
    %shift_right_arithmetic3A_996 = arith.shrsi %broadcast_in_dim3A_993, %shift_right_arithmetic3A_995 : vector<1x512xi32>
    %broadcast_in_dim3A_997 = vector.shape_cast %shift_right_arithmetic3A_996 : vector<1x512xi32> to vector<1x512xi32>
    %broadcast_in_dim3A_998 = vector.broadcast %broadcast_in_dim3A_997 : vector<1x512xi32> to vector<8x512xi32>
    %eq3A_999 = vector.broadcast %iota3A_6 : vector<8x1xi32> to vector<8x512xi32>
    %eq3A_1000 = arith.cmpi eq, %broadcast_in_dim3A_998, %eq3A_999 : vector<8x512xi32>
    %convert_element_type3A_1001 = arith.extui %eq3A_1000 : vector<8x512xi1> to vector<8x512xi32>
    %mul3A_1002 = arith.muli %get3A_15, %convert_element_type3A_1001 : vector<8x512xi32>
    %reduce_sum3A_1003 = arith.constant dense<0> : vector<512xi32>
    %reduce_sum3A_1004 = vector.multi_reduction <add>, %mul3A_1002, %reduce_sum3A_1003 [0] : vector<8x512xi32> to vector<512xi32>
    %broadcast_in_dim3A_1005 = vector.shape_cast %reduce_sum3A_1004 : vector<512xi32> to vector<1x512xi32>
    %and3A_1006 = arith.constant 31 : i32
    %and3A_1007 = vector.broadcast %and3A_1006 : i32 to vector<1x512xi32>
    %and3A_1008 = arith.andi %broadcast_in_dim3A_993, %and3A_1007 : vector<1x512xi32>
    %shift_right_logical3A_1009 = arith.shrui %broadcast_in_dim3A_1005, %and3A_1008 : vector<1x512xi32>
    %and3A_1010 = arith.constant 1 : i32
    %and3A_1011 = vector.broadcast %and3A_1010 : i32 to vector<1x512xi32>
    %and3A_1012 = arith.andi %shift_right_logical3A_1009, %and3A_1011 : vector<1x512xi32>
    %shift_right_logical3A_1013 = arith.constant 26 : i32
    %shift_right_logical3A_1014 = vector.broadcast %shift_right_logical3A_1013 : i32 to vector<1x512xi32>
    %shift_right_logical3A_1015 = arith.shrui %get3A_18, %shift_right_logical3A_1014 : vector<1x512xi32>
    %and3A_1016 = arith.constant 1 : i32
    %and3A_1017 = vector.broadcast %and3A_1016 : i32 to vector<1x512xi32>
    %and3A_1018 = arith.andi %shift_right_logical3A_1015, %and3A_1017 : vector<1x512xi32>
    %select_n3A_1019 = arith.select %eq3A_24, %and3A_1018, %and3A_1012 : vector<1x512xi1>, vector<1x512xi32>
    %shift_right_logical3A_1020 = arith.constant 27 : i32
    %shift_right_logical3A_1021 = vector.broadcast %shift_right_logical3A_1020 : i32 to vector<8x512xi32>
    %shift_right_logical3A_1022 = arith.shrui %mul3A_12, %shift_right_logical3A_1021 : vector<8x512xi32>
    %and3A_1023 = arith.constant 1 : i32
    %and3A_1024 = vector.broadcast %and3A_1023 : i32 to vector<8x512xi32>
    %and3A_1025 = arith.andi %shift_right_logical3A_1022, %and3A_1024 : vector<8x512xi32>
    %mul3A_1026 = vector.broadcast %shift_right_arithmetic3A_5 : vector<8x1xi32> to vector<8x512xi32>
    %mul3A_1027 = arith.muli %and3A_1025, %mul3A_1026 : vector<8x512xi32>
    %reduce_sum3A_1028 = arith.constant dense<0> : vector<512xi32>
    %reduce_sum3A_1029 = vector.multi_reduction <add>, %mul3A_1027, %reduce_sum3A_1028 [0] : vector<8x512xi32> to vector<512xi32>
    %broadcast_in_dim3A_1030 = vector.shape_cast %reduce_sum3A_1029 : vector<512xi32> to vector<1x512xi32>
    %shift_right_arithmetic3A_1031 = arith.constant 5 : i32
    %shift_right_arithmetic3A_1032 = vector.broadcast %shift_right_arithmetic3A_1031 : i32 to vector<1x512xi32>
    %shift_right_arithmetic3A_1033 = arith.shrsi %broadcast_in_dim3A_1030, %shift_right_arithmetic3A_1032 : vector<1x512xi32>
    %broadcast_in_dim3A_1034 = vector.shape_cast %shift_right_arithmetic3A_1033 : vector<1x512xi32> to vector<1x512xi32>
    %broadcast_in_dim3A_1035 = vector.broadcast %broadcast_in_dim3A_1034 : vector<1x512xi32> to vector<8x512xi32>
    %eq3A_1036 = vector.broadcast %iota3A_6 : vector<8x1xi32> to vector<8x512xi32>
    %eq3A_1037 = arith.cmpi eq, %broadcast_in_dim3A_1035, %eq3A_1036 : vector<8x512xi32>
    %convert_element_type3A_1038 = arith.extui %eq3A_1037 : vector<8x512xi1> to vector<8x512xi32>
    %mul3A_1039 = arith.muli %get3A_15, %convert_element_type3A_1038 : vector<8x512xi32>
    %reduce_sum3A_1040 = arith.constant dense<0> : vector<512xi32>
    %reduce_sum3A_1041 = vector.multi_reduction <add>, %mul3A_1039, %reduce_sum3A_1040 [0] : vector<8x512xi32> to vector<512xi32>
    %broadcast_in_dim3A_1042 = vector.shape_cast %reduce_sum3A_1041 : vector<512xi32> to vector<1x512xi32>
    %and3A_1043 = arith.constant 31 : i32
    %and3A_1044 = vector.broadcast %and3A_1043 : i32 to vector<1x512xi32>
    %and3A_1045 = arith.andi %broadcast_in_dim3A_1030, %and3A_1044 : vector<1x512xi32>
    %shift_right_logical3A_1046 = arith.shrui %broadcast_in_dim3A_1042, %and3A_1045 : vector<1x512xi32>
    %and3A_1047 = arith.constant 1 : i32
    %and3A_1048 = vector.broadcast %and3A_1047 : i32 to vector<1x512xi32>
    %and3A_1049 = arith.andi %shift_right_logical3A_1046, %and3A_1048 : vector<1x512xi32>
    %shift_right_logical3A_1050 = arith.constant 27 : i32
    %shift_right_logical3A_1051 = vector.broadcast %shift_right_logical3A_1050 : i32 to vector<1x512xi32>
    %shift_right_logical3A_1052 = arith.shrui %get3A_18, %shift_right_logical3A_1051 : vector<1x512xi32>
    %and3A_1053 = arith.constant 1 : i32
    %and3A_1054 = vector.broadcast %and3A_1053 : i32 to vector<1x512xi32>
    %and3A_1055 = arith.andi %shift_right_logical3A_1052, %and3A_1054 : vector<1x512xi32>
    %select_n3A_1056 = arith.select %eq3A_24, %and3A_1055, %and3A_1049 : vector<1x512xi1>, vector<1x512xi32>
    %shift_right_logical3A_1057 = arith.constant 28 : i32
    %shift_right_logical3A_1058 = vector.broadcast %shift_right_logical3A_1057 : i32 to vector<8x512xi32>
    %shift_right_logical3A_1059 = arith.shrui %mul3A_12, %shift_right_logical3A_1058 : vector<8x512xi32>
    %and3A_1060 = arith.constant 1 : i32
    %and3A_1061 = vector.broadcast %and3A_1060 : i32 to vector<8x512xi32>
    %and3A_1062 = arith.andi %shift_right_logical3A_1059, %and3A_1061 : vector<8x512xi32>
    %mul3A_1063 = vector.broadcast %shift_right_arithmetic3A_5 : vector<8x1xi32> to vector<8x512xi32>
    %mul3A_1064 = arith.muli %and3A_1062, %mul3A_1063 : vector<8x512xi32>
    %reduce_sum3A_1065 = arith.constant dense<0> : vector<512xi32>
    %reduce_sum3A_1066 = vector.multi_reduction <add>, %mul3A_1064, %reduce_sum3A_1065 [0] : vector<8x512xi32> to vector<512xi32>
    %broadcast_in_dim3A_1067 = vector.shape_cast %reduce_sum3A_1066 : vector<512xi32> to vector<1x512xi32>
    %shift_right_arithmetic3A_1068 = arith.constant 5 : i32
    %shift_right_arithmetic3A_1069 = vector.broadcast %shift_right_arithmetic3A_1068 : i32 to vector<1x512xi32>
    %shift_right_arithmetic3A_1070 = arith.shrsi %broadcast_in_dim3A_1067, %shift_right_arithmetic3A_1069 : vector<1x512xi32>
    %broadcast_in_dim3A_1071 = vector.shape_cast %shift_right_arithmetic3A_1070 : vector<1x512xi32> to vector<1x512xi32>
    %broadcast_in_dim3A_1072 = vector.broadcast %broadcast_in_dim3A_1071 : vector<1x512xi32> to vector<8x512xi32>
    %eq3A_1073 = vector.broadcast %iota3A_6 : vector<8x1xi32> to vector<8x512xi32>
    %eq3A_1074 = arith.cmpi eq, %broadcast_in_dim3A_1072, %eq3A_1073 : vector<8x512xi32>
    %convert_element_type3A_1075 = arith.extui %eq3A_1074 : vector<8x512xi1> to vector<8x512xi32>
    %mul3A_1076 = arith.muli %get3A_15, %convert_element_type3A_1075 : vector<8x512xi32>
    %reduce_sum3A_1077 = arith.constant dense<0> : vector<512xi32>
    %reduce_sum3A_1078 = vector.multi_reduction <add>, %mul3A_1076, %reduce_sum3A_1077 [0] : vector<8x512xi32> to vector<512xi32>
    %broadcast_in_dim3A_1079 = vector.shape_cast %reduce_sum3A_1078 : vector<512xi32> to vector<1x512xi32>
    %and3A_1080 = arith.constant 31 : i32
    %and3A_1081 = vector.broadcast %and3A_1080 : i32 to vector<1x512xi32>
    %and3A_1082 = arith.andi %broadcast_in_dim3A_1067, %and3A_1081 : vector<1x512xi32>
    %shift_right_logical3A_1083 = arith.shrui %broadcast_in_dim3A_1079, %and3A_1082 : vector<1x512xi32>
    %and3A_1084 = arith.constant 1 : i32
    %and3A_1085 = vector.broadcast %and3A_1084 : i32 to vector<1x512xi32>
    %and3A_1086 = arith.andi %shift_right_logical3A_1083, %and3A_1085 : vector<1x512xi32>
    %shift_right_logical3A_1087 = arith.constant 28 : i32
    %shift_right_logical3A_1088 = vector.broadcast %shift_right_logical3A_1087 : i32 to vector<1x512xi32>
    %shift_right_logical3A_1089 = arith.shrui %get3A_18, %shift_right_logical3A_1088 : vector<1x512xi32>
    %and3A_1090 = arith.constant 1 : i32
    %and3A_1091 = vector.broadcast %and3A_1090 : i32 to vector<1x512xi32>
    %and3A_1092 = arith.andi %shift_right_logical3A_1089, %and3A_1091 : vector<1x512xi32>
    %select_n3A_1093 = arith.select %eq3A_24, %and3A_1092, %and3A_1086 : vector<1x512xi1>, vector<1x512xi32>
    %shift_right_logical3A_1094 = arith.constant 29 : i32
    %shift_right_logical3A_1095 = vector.broadcast %shift_right_logical3A_1094 : i32 to vector<8x512xi32>
    %shift_right_logical3A_1096 = arith.shrui %mul3A_12, %shift_right_logical3A_1095 : vector<8x512xi32>
    %and3A_1097 = arith.constant 1 : i32
    %and3A_1098 = vector.broadcast %and3A_1097 : i32 to vector<8x512xi32>
    %and3A_1099 = arith.andi %shift_right_logical3A_1096, %and3A_1098 : vector<8x512xi32>
    %mul3A_1100 = vector.broadcast %shift_right_arithmetic3A_5 : vector<8x1xi32> to vector<8x512xi32>
    %mul3A_1101 = arith.muli %and3A_1099, %mul3A_1100 : vector<8x512xi32>
    %reduce_sum3A_1102 = arith.constant dense<0> : vector<512xi32>
    %reduce_sum3A_1103 = vector.multi_reduction <add>, %mul3A_1101, %reduce_sum3A_1102 [0] : vector<8x512xi32> to vector<512xi32>
    %broadcast_in_dim3A_1104 = vector.shape_cast %reduce_sum3A_1103 : vector<512xi32> to vector<1x512xi32>
    %shift_right_arithmetic3A_1105 = arith.constant 5 : i32
    %shift_right_arithmetic3A_1106 = vector.broadcast %shift_right_arithmetic3A_1105 : i32 to vector<1x512xi32>
    %shift_right_arithmetic3A_1107 = arith.shrsi %broadcast_in_dim3A_1104, %shift_right_arithmetic3A_1106 : vector<1x512xi32>
    %broadcast_in_dim3A_1108 = vector.shape_cast %shift_right_arithmetic3A_1107 : vector<1x512xi32> to vector<1x512xi32>
    %broadcast_in_dim3A_1109 = vector.broadcast %broadcast_in_dim3A_1108 : vector<1x512xi32> to vector<8x512xi32>
    %eq3A_1110 = vector.broadcast %iota3A_6 : vector<8x1xi32> to vector<8x512xi32>
    %eq3A_1111 = arith.cmpi eq, %broadcast_in_dim3A_1109, %eq3A_1110 : vector<8x512xi32>
    %convert_element_type3A_1112 = arith.extui %eq3A_1111 : vector<8x512xi1> to vector<8x512xi32>
    %mul3A_1113 = arith.muli %get3A_15, %convert_element_type3A_1112 : vector<8x512xi32>
    %reduce_sum3A_1114 = arith.constant dense<0> : vector<512xi32>
    %reduce_sum3A_1115 = vector.multi_reduction <add>, %mul3A_1113, %reduce_sum3A_1114 [0] : vector<8x512xi32> to vector<512xi32>
    %broadcast_in_dim3A_1116 = vector.shape_cast %reduce_sum3A_1115 : vector<512xi32> to vector<1x512xi32>
    %and3A_1117 = arith.constant 31 : i32
    %and3A_1118 = vector.broadcast %and3A_1117 : i32 to vector<1x512xi32>
    %and3A_1119 = arith.andi %broadcast_in_dim3A_1104, %and3A_1118 : vector<1x512xi32>
    %shift_right_logical3A_1120 = arith.shrui %broadcast_in_dim3A_1116, %and3A_1119 : vector<1x512xi32>
    %and3A_1121 = arith.constant 1 : i32
    %and3A_1122 = vector.broadcast %and3A_1121 : i32 to vector<1x512xi32>
    %and3A_1123 = arith.andi %shift_right_logical3A_1120, %and3A_1122 : vector<1x512xi32>
    %shift_right_logical3A_1124 = arith.constant 29 : i32
    %shift_right_logical3A_1125 = vector.broadcast %shift_right_logical3A_1124 : i32 to vector<1x512xi32>
    %shift_right_logical3A_1126 = arith.shrui %get3A_18, %shift_right_logical3A_1125 : vector<1x512xi32>
    %and3A_1127 = arith.constant 1 : i32
    %and3A_1128 = vector.broadcast %and3A_1127 : i32 to vector<1x512xi32>
    %and3A_1129 = arith.andi %shift_right_logical3A_1126, %and3A_1128 : vector<1x512xi32>
    %select_n3A_1130 = arith.select %eq3A_24, %and3A_1129, %and3A_1123 : vector<1x512xi1>, vector<1x512xi32>
    %shift_right_logical3A_1131 = arith.constant 30 : i32
    %shift_right_logical3A_1132 = vector.broadcast %shift_right_logical3A_1131 : i32 to vector<8x512xi32>
    %shift_right_logical3A_1133 = arith.shrui %mul3A_12, %shift_right_logical3A_1132 : vector<8x512xi32>
    %and3A_1134 = arith.constant 1 : i32
    %and3A_1135 = vector.broadcast %and3A_1134 : i32 to vector<8x512xi32>
    %and3A_1136 = arith.andi %shift_right_logical3A_1133, %and3A_1135 : vector<8x512xi32>
    %mul3A_1137 = vector.broadcast %shift_right_arithmetic3A_5 : vector<8x1xi32> to vector<8x512xi32>
    %mul3A_1138 = arith.muli %and3A_1136, %mul3A_1137 : vector<8x512xi32>
    %reduce_sum3A_1139 = arith.constant dense<0> : vector<512xi32>
    %reduce_sum3A_1140 = vector.multi_reduction <add>, %mul3A_1138, %reduce_sum3A_1139 [0] : vector<8x512xi32> to vector<512xi32>
    %broadcast_in_dim3A_1141 = vector.shape_cast %reduce_sum3A_1140 : vector<512xi32> to vector<1x512xi32>
    %shift_right_arithmetic3A_1142 = arith.constant 5 : i32
    %shift_right_arithmetic3A_1143 = vector.broadcast %shift_right_arithmetic3A_1142 : i32 to vector<1x512xi32>
    %shift_right_arithmetic3A_1144 = arith.shrsi %broadcast_in_dim3A_1141, %shift_right_arithmetic3A_1143 : vector<1x512xi32>
    %broadcast_in_dim3A_1145 = vector.shape_cast %shift_right_arithmetic3A_1144 : vector<1x512xi32> to vector<1x512xi32>
    %broadcast_in_dim3A_1146 = vector.broadcast %broadcast_in_dim3A_1145 : vector<1x512xi32> to vector<8x512xi32>
    %eq3A_1147 = vector.broadcast %iota3A_6 : vector<8x1xi32> to vector<8x512xi32>
    %eq3A_1148 = arith.cmpi eq, %broadcast_in_dim3A_1146, %eq3A_1147 : vector<8x512xi32>
    %convert_element_type3A_1149 = arith.extui %eq3A_1148 : vector<8x512xi1> to vector<8x512xi32>
    %mul3A_1150 = arith.muli %get3A_15, %convert_element_type3A_1149 : vector<8x512xi32>
    %reduce_sum3A_1151 = arith.constant dense<0> : vector<512xi32>
    %reduce_sum3A_1152 = vector.multi_reduction <add>, %mul3A_1150, %reduce_sum3A_1151 [0] : vector<8x512xi32> to vector<512xi32>
    %broadcast_in_dim3A_1153 = vector.shape_cast %reduce_sum3A_1152 : vector<512xi32> to vector<1x512xi32>
    %and3A_1154 = arith.constant 31 : i32
    %and3A_1155 = vector.broadcast %and3A_1154 : i32 to vector<1x512xi32>
    %and3A_1156 = arith.andi %broadcast_in_dim3A_1141, %and3A_1155 : vector<1x512xi32>
    %shift_right_logical3A_1157 = arith.shrui %broadcast_in_dim3A_1153, %and3A_1156 : vector<1x512xi32>
    %and3A_1158 = arith.constant 1 : i32
    %and3A_1159 = vector.broadcast %and3A_1158 : i32 to vector<1x512xi32>
    %and3A_1160 = arith.andi %shift_right_logical3A_1157, %and3A_1159 : vector<1x512xi32>
    %shift_right_logical3A_1161 = arith.constant 30 : i32
    %shift_right_logical3A_1162 = vector.broadcast %shift_right_logical3A_1161 : i32 to vector<1x512xi32>
    %shift_right_logical3A_1163 = arith.shrui %get3A_18, %shift_right_logical3A_1162 : vector<1x512xi32>
    %and3A_1164 = arith.constant 1 : i32
    %and3A_1165 = vector.broadcast %and3A_1164 : i32 to vector<1x512xi32>
    %and3A_1166 = arith.andi %shift_right_logical3A_1163, %and3A_1165 : vector<1x512xi32>
    %select_n3A_1167 = arith.select %eq3A_24, %and3A_1166, %and3A_1160 : vector<1x512xi1>, vector<1x512xi32>
    %shift_right_logical3A_1168 = arith.constant 31 : i32
    %shift_right_logical3A_1169 = vector.broadcast %shift_right_logical3A_1168 : i32 to vector<8x512xi32>
    %shift_right_logical3A_1170 = arith.shrui %mul3A_12, %shift_right_logical3A_1169 : vector<8x512xi32>
    %and3A_1171 = arith.constant 1 : i32
    %and3A_1172 = vector.broadcast %and3A_1171 : i32 to vector<8x512xi32>
    %and3A_1173 = arith.andi %shift_right_logical3A_1170, %and3A_1172 : vector<8x512xi32>
    %mul3A_1174 = vector.broadcast %shift_right_arithmetic3A_5 : vector<8x1xi32> to vector<8x512xi32>
    %mul3A_1175 = arith.muli %and3A_1173, %mul3A_1174 : vector<8x512xi32>
    %reduce_sum3A_1176 = arith.constant dense<0> : vector<512xi32>
    %reduce_sum3A_1177 = vector.multi_reduction <add>, %mul3A_1175, %reduce_sum3A_1176 [0] : vector<8x512xi32> to vector<512xi32>
    %broadcast_in_dim3A_1178 = vector.shape_cast %reduce_sum3A_1177 : vector<512xi32> to vector<1x512xi32>
    %shift_right_arithmetic3A_1179 = arith.constant 5 : i32
    %shift_right_arithmetic3A_1180 = vector.broadcast %shift_right_arithmetic3A_1179 : i32 to vector<1x512xi32>
    %shift_right_arithmetic3A_1181 = arith.shrsi %broadcast_in_dim3A_1178, %shift_right_arithmetic3A_1180 : vector<1x512xi32>
    %broadcast_in_dim3A_1182 = vector.shape_cast %shift_right_arithmetic3A_1181 : vector<1x512xi32> to vector<1x512xi32>
    %broadcast_in_dim3A_1183 = vector.broadcast %broadcast_in_dim3A_1182 : vector<1x512xi32> to vector<8x512xi32>
    %eq3A_1184 = vector.broadcast %iota3A_6 : vector<8x1xi32> to vector<8x512xi32>
    %eq3A_1185 = arith.cmpi eq, %broadcast_in_dim3A_1183, %eq3A_1184 : vector<8x512xi32>
    %convert_element_type3A_1186 = arith.extui %eq3A_1185 : vector<8x512xi1> to vector<8x512xi32>
    %mul3A_1187 = arith.muli %get3A_15, %convert_element_type3A_1186 : vector<8x512xi32>
    %reduce_sum3A_1188 = arith.constant dense<0> : vector<512xi32>
    %reduce_sum3A_1189 = vector.multi_reduction <add>, %mul3A_1187, %reduce_sum3A_1188 [0] : vector<8x512xi32> to vector<512xi32>
    %broadcast_in_dim3A_1190 = vector.shape_cast %reduce_sum3A_1189 : vector<512xi32> to vector<1x512xi32>
    %and3A_1191 = arith.constant 31 : i32
    %and3A_1192 = vector.broadcast %and3A_1191 : i32 to vector<1x512xi32>
    %and3A_1193 = arith.andi %broadcast_in_dim3A_1178, %and3A_1192 : vector<1x512xi32>
    %shift_right_logical3A_1194 = arith.shrui %broadcast_in_dim3A_1190, %and3A_1193 : vector<1x512xi32>
    %and3A_1195 = arith.constant 1 : i32
    %and3A_1196 = vector.broadcast %and3A_1195 : i32 to vector<1x512xi32>
    %and3A_1197 = arith.andi %shift_right_logical3A_1194, %and3A_1196 : vector<1x512xi32>
    %shift_right_logical3A_1198 = arith.constant 31 : i32
    %shift_right_logical3A_1199 = vector.broadcast %shift_right_logical3A_1198 : i32 to vector<1x512xi32>
    %shift_right_logical3A_1200 = arith.shrui %get3A_18, %shift_right_logical3A_1199 : vector<1x512xi32>
    %and3A_1201 = arith.constant 1 : i32
    %and3A_1202 = vector.broadcast %and3A_1201 : i32 to vector<1x512xi32>
    %and3A_1203 = arith.andi %shift_right_logical3A_1200, %and3A_1202 : vector<1x512xi32>
    %select_n3A_1204 = arith.select %eq3A_24, %and3A_1203, %and3A_1197 : vector<1x512xi1>, vector<1x512xi32>
    %concatenate3A = tpu.concatenate %select_n3A, %select_n3A_94, %select_n3A_131, %select_n3A_168, %select_n3A_205, %select_n3A_242, %select_n3A_279, %select_n3A_316, %select_n3A_353, %select_n3A_390, %select_n3A_427, %select_n3A_464, %select_n3A_501, %select_n3A_538, %select_n3A_575, %select_n3A_612, %select_n3A_649, %select_n3A_686, %select_n3A_723, %select_n3A_760, %select_n3A_797, %select_n3A_834, %select_n3A_871, %select_n3A_908, %select_n3A_945, %select_n3A_982, %select_n3A_1019, %select_n3A_1056, %select_n3A_1093, %select_n3A_1130, %select_n3A_1167, %select_n3A_1204 in 0 : vector<1x512xi32>, vector<1x512xi32>, vector<1x512xi32>, vector<1x512xi32>, vector<1x512xi32>, vector<1x512xi32>, vector<1x512xi32>, vector<1x512xi32>, vector<1x512xi32>, vector<1x512xi32>, vector<1x512xi32>, vector<1x512xi32>, vector<1x512xi32>, vector<1x512xi32>, vector<1x512xi32>, vector<1x512xi32>, vector<1x512xi32>, vector<1x512xi32>, vector<1x512xi32>, vector<1x512xi32>, vector<1x512xi32>, vector<1x512xi32>, vector<1x512xi32>, vector<1x512xi32>, vector<1x512xi32>, vector<1x512xi32>, vector<1x512xi32>, vector<1x512xi32>, vector<1x512xi32>, vector<1x512xi32>, vector<1x512xi32>, vector<1x512xi32> -> vector<32x512xi32>
    %convert_element_type3A_1205 = arith.sitofp %concatenate3A : vector<32x512xi32> to vector<32x512xf32>
    %iota3A_1206 = tpu.iota {dimensions = array<i32: 0>} : vector<512x1xi32>
    %lt3A_1207 = vector.broadcast %sub3A_1 : i32 to vector<512x1xi32>
    %lt3A_1208 = arith.cmpi slt, %iota3A_1206, %lt3A_1207 : vector<512x1xi32>
    %get3A_1209 = arith.constant 0 : index
    %get3A_1210 = arith.constant 0 : index
    %get3A_1211 = vector.load %arg5[%get3A_1209, %get3A_1210] : memref<512x128xf32, #tpu.memory_space<vmem>>, vector<512x128xf32>
    %jit3A = arith.constant 0.000000e+00 : f32
    %broadcast_in_dim3A_1212 = vector.shape_cast %lt3A_1208 : vector<512x1xi1> to vector<512x1xi1>
    %broadcast_in_dim3A_1213 = vector.broadcast %broadcast_in_dim3A_1212 : vector<512x1xi1> to vector<512x128xi1>
    %broadcast_in_dim3A_1214 = vector.broadcast %jit3A : f32 to vector<512x128xf32>
    %select_n3A_1215 = arith.select %broadcast_in_dim3A_1213, %get3A_1211, %broadcast_in_dim3A_1214 : vector<512x128xi1>, vector<512x128xf32>
    %jit3A_1216 = arith.constant 0.000000e+00 : f32
    %broadcast_in_dim3A_1217 = vector.shape_cast %lt3A_2 : vector<1x512xi1> to vector<1x512xi1>
    %broadcast_in_dim3A_1218 = vector.broadcast %broadcast_in_dim3A_1217 : vector<1x512xi1> to vector<32x512xi1>
    %broadcast_in_dim3A_1219 = vector.broadcast %jit3A_1216 : f32 to vector<32x512xf32>
    %select_n3A_1220 = arith.select %broadcast_in_dim3A_1218, %convert_element_type3A_1205, %broadcast_in_dim3A_1219 : vector<32x512xi1>, vector<32x512xf32>
    %eq3A_1221 = arith.constant 0 : i32
    %eq3A_1222 = arith.cmpi eq, %arg0, %eq3A_1221 : i32
    %convert_element_type3A_1223 = arith.extui %eq3A_1222 : i1 to i32
    %cond3A = arith.constant 0 : i32
    %cond3A_1224 = arith.cmpi ne, %convert_element_type3A_1223, %cond3A : i32
    scf.if %cond3A_1224 {
      %broadcast_in_dim3A_1236 = arith.constant 0.000000e+00 : f32
      %broadcast_in_dim3A_1237 = vector.broadcast %broadcast_in_dim3A_1236 : f32 to vector<32x128xf32>
      %swap3A_1238 = arith.constant 0 : index
      %swap3A_1239 = arith.constant 0 : index
      %swap3A_1240 = vector.load %arg7[%swap3A_1238, %swap3A_1239] : memref<32x128xf32, #tpu.memory_space<vmem>>, vector<32x128xf32>
      tpu.vector_store %arg7[%swap3A_1238, %swap3A_1239], %broadcast_in_dim3A_1237 {strides = array<i32>} : memref<32x128xf32, #tpu.memory_space<vmem>>, vector<32x128xf32>,
    } else {
    }
    %get3A_1225 = arith.constant 0 : index
    %get3A_1226 = arith.constant 0 : index
    %get3A_1227 = vector.load %arg7[%get3A_1225, %get3A_1226] : memref<32x128xf32, #tpu.memory_space<vmem>>, vector<32x128xf32>
    %dot_general3A = arith.constant dense<0.000000e+00> : vector<32x128xf32>
    %dot_general3A_1228 = tpu.matmul %select_n3A_1220, %select_n3A_1215, %dot_general3A {dimension_numbers = #tpu.dot_dimension_numbers<[1], [0], [0], [1], [0, 0, 1, 1], [], []>, precision = #tpu.contract_precision<fp32>, transpose_lhs_hint = false} : vector<32x512xf32>, vector<512x128xf32>, vector<32x128xf32> -> vector<32x128xf32>
    %add3A = arith.addf %get3A_1227, %dot_general3A_1228 : vector<32x128xf32>
    %swap3A = arith.constant 0 : index
    %swap3A_1229 = arith.constant 0 : index
    %swap3A_1230 = vector.load %arg7[%swap3A, %swap3A_1229] : memref<32x128xf32, #tpu.memory_space<vmem>>, vector<32x128xf32>
    tpu.vector_store %arg7[%swap3A, %swap3A_1229], %add3A {strides = array<i32>} : memref<32x128xf32, #tpu.memory_space<vmem>>, vector<32x128xf32>,
    %eq3A_1231 = arith.constant 193 : i32
    %eq3A_1232 = arith.cmpi eq, %arg0, %eq3A_1231 : i32
    %convert_element_type3A_1233 = arith.extui %eq3A_1232 : i1 to i32
    %cond3A_1234 = arith.constant 0 : i32
    %cond3A_1235 = arith.cmpi ne, %convert_element_type3A_1233, %cond3A_1234 : i32
    scf.if %cond3A_1235 {
      %get3A_1236 = arith.constant 0 : index
      %get3A_1237 = arith.constant 0 : index
      %get3A_1238 = vector.load %arg7[%get3A_1236, %get3A_1237] : memref<32x128xf32, #tpu.memory_space<vmem>>, vector<32x128xf32>
      %get3A_1239 = arith.constant 0 : index
      %get3A_1240 = arith.constant 0 : index
      %get3A_1241 = vector.load %arg6[%get3A_1239, %get3A_1240] : memref<1x128xf32, #tpu.memory_space<vmem>>, vector<1x128xf32>
      %add3A_1242 = vector.broadcast %get3A_1241 : vector<1x128xf32> to vector<32x128xf32>
      %add3A_1243 = arith.addf %get3A_1238, %add3A_1242 : vector<32x128xf32>
      %logistic3A = arith.negf %add3A_1243 : vector<32x128xf32>
      %logistic3A_1244 = math.exp %logistic3A : vector<32x128xf32>
      %logistic3A_1245 = arith.constant 1.000000e+00 : f32
      %logistic3A_1246 = vector.broadcast %logistic3A_1245 : f32 to vector<32x128xf32>
      %logistic3A_1247 = arith.addf %logistic3A_1246, %logistic3A_1244 : vector<32x128xf32>
      %logistic3A_1248 = arith.divf %logistic3A_1246, %logistic3A_1247 : vector<32x128xf32>
      %swap3A_1249 = arith.constant 0 : index
      %swap3A_1250 = arith.constant 0 : index
      %swap3A_1251 = vector.load %arg7[%swap3A_1249, %swap3A_1250] : memref<32x128xf32, #tpu.memory_space<vmem>>, vector<32x128xf32>
      tpu.vector_store %arg7[%swap3A_1249, %swap3A_1250], %logistic3A_1248 {strides = array<i32>} : memref<32x128xf32, #tpu.memory_space<vmem>>, vector<32x128xf32>,
    } else {
    }
    return
  }
  func.func @transform_0(%arg0: i32) -> (i32, i32) {
    %c0_i32 = arith.constant 0 : i32
    %c0_i32_0 = arith.constant 0 : i32
    return %c0_i32, %arg0 : i32, i32
  }
  func.func @transform_1(%arg0: i32) -> (i32, i32) {
    %c0_i32 = arith.constant 0 : i32
    %c0_i32_0 = arith.constant 0 : i32
    return %c0_i32, %arg0 : i32, i32
  }
  func.func @transform_2(%arg0: i32) -> (i32, i32) {
    %c0_i32 = arith.constant 0 : i32
    %c0_i32_0 = arith.constant 0 : i32
    return %c0_i32, %arg0 : i32, i32
  }
  func.func @transform_3(%arg0: i32) -> (i32, i32) {
    %c0_i32 = arith.constant 0 : i32
    %c0_i32_0 = arith.constant 0 : i32
    return %c0_i32, %arg0 : i32, i32
  }
  func.func @transform_4(%arg0: i32) -> (i32, i32) {
    %c0_i32 = arith.constant 0 : i32
    %c0_i32_0 = arith.constant 0 : i32
    return %arg0, %c0_i32 : i32, i32
  }
  func.func @transform_5(%arg0: i32) -> (i32, i32) {
    %c0_i32 = arith.constant 0 : i32
    %c0_i32_0 = arith.constant 0 : i32
    %c0_i32_1 = arith.constant 0 : i32
    return %c0_i32, %c0_i32_0 : i32, i32
  }
  func.func @transform_6(%arg0: i32) -> (i32, i32) {
    %c0_i32 = arith.constant 0 : i32
    %c0_i32_0 = arith.constant 0 : i32
    %c0_i32_1 = arith.constant 0 : i32
    return %c0_i32, %c0_i32_0 : i32, i32
  }
}

</mosaic_0001>

<sc_bundles>
// kernel: kernel.6.cloned.1.call-start
scs
__scs_entry_jumppad:
0x0: {  	(pc) =	sbr.rel $0x88, $3  }
0x1: {  	(tag) =	ssettag $0x0;
	lr =	simm.s32 $0x1  }
0x2: {  	[smem:$0x3F9B] =	sst lr;
	_ =	strace $0xD0000000  }
0x3: {  	_ = 	snop  }
0x4: {  	_ = 	snop  }
0x5: {  	_ = 	snop  }
0x6: {  	_ = 	snop  }
0x7: {  	_ = 	snop  }
__scs_overlays_trampoline_lowered:
0x8: {  	[smem:$0x3FAA] =	sst s0  }
0x9: {  	[smem:$0x3FAB] =	sst s1  }
0xa: {  	[smem:$0x3FAC] =	sst s2  }
0xb: {  	[smem:$0x3FAD] =	sst s3  }
0xc: {  	[smem:$0x3FAE] =	sst s4  }
0xd: {  	[smem:$0x3FAF] =	sst s5  }
0xe: {  	[smem:$0x3FB0] =	sst s6  }
0xf: {  	[smem:$0x3FB1] =	sst s7  }
0x10: {  	[smem:$0x3FB2] =	sst s8  }
0x11: {  	[smem:$0x3FB3] =	sst s9;
	s0 =	simm.s32 @!p0 $0x0  }
0x12: {  	s1 =	sld [smem:$0x3F99];
	s0 =	simm.s32 @p0 $0x1  }
0x13: {  	[smem:$0x3FB4] =	sst s0;
	s0 =	simm.s32 @!p1 $0x0  }
0x14: {  	s2 =	sld [smem:$0x3F98];
	s0 =	simm.s32 @p1 $0x1  }
0x15: {  	[smem:$0x3FB5] =	sst s0;
	s0 =	simm.s32 @!p2 $0x0  }
0x16: {  	s3 =	sld [smem:$0x3FDB];
	s0 =	simm.s32 @p2 $0x1  }
0x17: {  	s4 =	simm.s32 $0x1BF5;
	[smem:$0x3FB7] =	sst s0  }
0x18: {  	s0 =	sld [smem:$0x3F9A];
	_ =	swait.ge [sflag:s4], $0x0  }
0x19: {  	s7 =	sld [smem:$0x3F9B]  }
0x1a: {  	s8 =	sadd.s32 $0xFFFFE003, lr  }
0x1b: {  	s9 =	sadd.s32 $0xFFFFFEF7, lr;
	s5 =	simm.s32 $0xFFFFFFFF;
	p2 =	slt.u32 s8, $0xFFFFF086  }
0x1c: {  	p1 =	slt.u32 s9, $0xF7A;
	s5 =	simm.s32 @!p2 $0x0  }
0x1d: {  	s5 =	simm.s32 @p1 $0x1;
	p0 =	seq.s32 s7, s2  }
0x1e: {  	s7 =	smul.u32 @!p0 $0xF7A, s2;
	p2 =	seq.s32 @!p0 s5, $0x0  }
0x1f: {  	s9 =	smul.u32 $0xF7A, s1;
	s8 =	simm.s32 @!p0 $0x1BF5;
	p2 =	por !p2, p0  }
0x20: {  	[sflag:s8] =	ssyncset.s32 @!p0 $0xFFFFF086;
	s6 =	sadd.s32 @!p0 s3, s7;
	s7 =	simm.s32 @!p0 $0x108  }
0x21: {  	s3 =	sadd.s32 s3, s9;
	s6 =	sadd.s32 @!p0 $0x88, s6;
	s7 =	simm.s32 @p2 $0x1082  }
0x22: {  	[simem:s7], [sflag:s8] =	dma.local @!p0 [hbm:s6], $0xF7A  }
0x23: {  	s9 =	sor.u32 $0xD0000000, s2;
	s6 =	simm.s32 $0x108;
	_ =	swait.ge @!p0 [sflag:s8], $0x0  }
0x24: {  	s3 =	sadd.s32 $0x88, s3;
	s6 =	simm.s32 @!p1 $0x1082;
	[sflag:s4] =	ssyncset.s32 $0xFFFFF086  }
0x25: {  	[simem:s6], [sflag:s4] =	dma.local [hbm:s3], $0xF7A  }
0x26: {  	[smem:$0x3F9B] =	sst s1;
	(tag) =	ssettag s2;
	_ =	strace s9  }
0x27: {  	s1 =	sld [smem:$0x3FAB]  }
0x28: {  	s2 =	sld [smem:$0x3FAC]  }
0x29: {  	s4 =	sld [smem:$0x3FAE]  }
0x2a: {  	p0 =	seq.s32 s5, $0x0;
	s5 =	sld [smem:$0x3FAF]  }
0x2b: {  	s6 =	sld [smem:$0x3FB0]  }
0x2c: {  	s7 =	sld [smem:$0x3FB1]  }
0x2d: {  	s3 =	simm.s32 $0x108;
	s8 =	sld [smem:$0x3FB2]  }
0x2e: {  	s3 =	simm.s32 @!p0 $0x1082;
	s9 =	sld [smem:$0x3FB3]  }
0x2f: {  	lr =	sadd.s32 s0, s3;
	s0 =	sld [smem:$0x3FAA]  }
0x30: {  	s3 =	sld [smem:$0x3FAD]  }
0x31: {  	[smem:$0x3FB6] =	sst s10  }
0x32: {  	s10 =	sld [smem:$0x3FB4];
	_ =	sdelay $0x3  }
0x33: {  	p0 =	seq.s32 s10, $0x1;
	s10 =	sld [smem:$0x3FB6];
	_ =	sdelay $0x3  }
0x34: {  	[smem:$0x3FB6] =	sst s10  }
0x35: {  	s10 =	sld [smem:$0x3FB5];
	_ =	sdelay $0x3  }
0x36: {  	p1 =	seq.s32 s10, $0x1;
	s10 =	sld [smem:$0x3FB6];
	_ =	sdelay $0x3  }
0x37: {  	[smem:$0x3FB6] =	sst s10  }
0x38: {  	s10 =	sld [smem:$0x3FB7]  }
0x39: {  	_ = 	snop;
	(pc) =	sbr.ind lr, $3  }
0x3a: {  	_ = 	snop  }
0x3b: {  	_ = 	snop  }
0x3c: {  	p2 =	seq.s32 s10, $0x1;
	s10 =	sld [smem:$0x3FB6]  }
0x3d: {  	_ =	shalt  }
0x3e: {  	_ =	shalt  }
0x3f: {  	_ =	shalt  }
0x40: {  	_ =	shalt  }
0x41: {  	_ =	shalt  }
0x42: {  	_ =	shalt  }
0x43: {  	_ =	shalt  }
0x44: {  	_ =	shalt  }
0x45: {  	_ =	shalt  }
0x46: {  	_ =	shalt  }
0x47: {  	_ =	shalt  }
0x48: {  	_ =	shalt  }
0x49: {  	_ =	shalt  }
0x4a: {  	_ =	shalt  }
0x4b: {  	_ =	shalt  }
0x4c: {  	_ =	shalt  }
0x4d: {  	_ =	shalt  }
0x4e: {  	_ =	shalt  }
0x4f: {  	_ =	shalt  }
0x50: {  	_ =	shalt  }
0x51: {  	_ =	shalt  }
0x52: {  	_ =	shalt  }
0x53: {  	_ =	shalt  }
0x54: {  	_ =	shalt  }
0x55: {  	_ =	shalt  }
0x56: {  	_ =	shalt  }
0x57: {  	_ =	shalt  }
0x58: {  	_ =	shalt  }
0x59: {  	_ =	shalt  }
0x5a: {  	_ =	shalt  }
0x5b: {  	_ =	shalt  }
0x5c: {  	_ =	shalt  }
0x5d: {  	_ =	shalt  }
0x5e: {  	_ =	shalt  }
0x5f: {  	_ =	shalt  }
0x60: {  	_ =	shalt  }
0x61: {  	_ =	shalt  }
0x62: {  	_ =	shalt  }
0x63: {  	_ =	shalt  }
0x64: {  	_ =	shalt  }
0x65: {  	_ =	shalt  }
0x66: {  	_ =	shalt  }
0x67: {  	_ =	shalt  }
0x68: {  	_ =	shalt  }
0x69: {  	_ =	shalt  }
0x6a: {  	_ =	shalt  }
0x6b: {  	_ =	shalt  }
0x6c: {  	_ =	shalt  }
0x6d: {  	_ =	shalt  }
0x6e: {  	_ =	shalt  }
0x6f: {  	_ =	shalt  }
0x70: {  	_ =	shalt  }
0x71: {  	_ =	shalt  }
0x72: {  	_ =	shalt  }
0x73: {  	_ =	shalt  }
0x74: {  	_ =	shalt  }
0x75: {  	_ =	shalt  }
0x76: {  	_ =	shalt  }
0x77: {  	_ =	shalt  }
0x78: {  	_ =	shalt  }
0x79: {  	_ =	shalt  }
0x7a: {  	_ =	shalt  }
0x7b: {  	_ =	shalt  }
0x7c: {  	_ =	shalt  }
0x7d: {  	_ =	shalt  }
0x7e: {  	_ =	shalt  }
0x7f: {  	_ =	shalt  }
0x80: {  	_ =	shalt  }
0x81: {  	_ =	shalt  }
0x82: {  	_ =	shalt  }
0x83: {  	_ =	shalt  }
0x84: {  	_ =	shalt  }
0x85: {  	_ =	shalt  }
0x86: {  	_ =	shalt  }
0x87: {  	_ =	shalt  }
.Lfunc_end0:
.L_simem_size_0:
called_computation_lowered:
.L_overlay_start_0:
0x88: {  	s2 =	sld [smem:$0x3FD9]  }
0x89: {  	s3 =	sld [smem:$0x3FFE];
	_ =	sdelay $0x1  }
0x8a: {  	s1 =	srdreg.scid  }
0x8b: {  	s0 =	sand.u32 $0x1, s1  }
0x8c: {  	s16 =	sshll.u32 s0, $0xA;
	s2 =	sadd.s32 s3, s2  }
0x8d: {  	s2 =	sadd.s32 s2, s16  }
0x8e: {  	[smem:$0x3FC2] =	sst s2  }
0x8f: {  	_ = 	snop  }
0x90: {  	(tm) =	ssettm $0x1  }
0x91: {  	s17 =	sld [smem:$0x3FFB];
	_ =	sdelay $0x3  }
0x92: {  	_ =	strace s17  }
0x93: {  	s2 =	sld [smem:$0x3FFC];
	_ =	sdelay $0x3  }
0x94: {  	_ =	strace s2  }
0x95: {  	s2 =	sld [smem:$0x3FFD];
	_ =	sdelay $0x3  }
0x96: {  	_ =	strace s2  }
0x97: {  	_ =	strace $0x8FFFFFFF  }
0x98: {  	s18 =	sld [smem:$0x3FDB];
	_ =	sdelay $0x1  }
0x99: {  	s19 =	simm.s32 $_scs_section_size  }
0x9a: {  	s4 =	simm.s32 $_size__tile_overlayer_lowered;
	s5 =	simm.s32 $_tile_overlayer_lowered  }
0x9b: {  	s22 =	simm.s32 $0x1BFF;
	s21 =	sshll.u32 s5, $0x1;
	s2 =	sadd.s32 s19, s18  }
0x9c: {  	s6 =	simm.s32 $0x0;
	s20 =	sshll.u32 s4, $0x1;
	s4 =	sadd.s32 s21, s2  }
0x9d: {  	[timem:s6], [sflag:s22] =	dma.local [hbm:s4], s20  }
0x9e: {  	_ =	swait.ge [sflag:s22], s20  }
0x9f: {  	s3 =	ssub.s32 $0x0, s20;
	[sflag:s22] =	ssyncset.done $0x0  }
0xa0: {  	[sflag:s22] =	ssyncadd.s32 s3;
	_ =	sdelay $0x1  }
0xa1: {  	s23 =	simm.s32 $0x1B8B  }
0xa2: {  	_ =	swait.ge [sflag:s23], $0x1  }
0xa3: {  	[sflag:s23] =	ssyncset.done $0x0  }
0xa4: {  	s25 =	simm.s32 $0x1B8E;
	s24 =	sld [smem:$0x3FFE];
	[sflag:s23] =	ssyncadd.s32 $0xFFFFFFFF  }
0xa5: {  	s26 =	simm.s32 $execute0_lowered;
	[smem:$0x3FD2] =	sst s25  }
0xa6: {  	s4 =	sshll.u32 s26, $0x1;
	_ =	strace $0x80000046;
	[dreg:$0x1] =	wrdreg $0xFFFFFFFF  }
0xa7: {  	s28 =	simm.s32 $_size_execute0_lowered;
	s2 =	sadd.s32 s2, s4;
	[dreg:$0x0] =	wrdreg $0x0  }
0xa8: {  	s4 =	sshll.u32 s28, $0x1;
	[dreg:$0x2] =	wrdreg s2  }
0xa9: {  	[dreg:$0x3] =	wrdreg s4  }
0xaa: {  	[dreg:$0x4] =	wrdreg $0xC0  }
0xab: {  	_ =	task [dreg:s6], $0x5FFFF  }
0xac: {  	[dreg:$0x1] =	wrdreg $0xFFFFFFFF  }
0xad: {  	[dreg:$0x0] =	wrdreg $0x60  }
0xae: {  	[dreg:$0x2] =	wrdreg s24  }
0xaf: {  	[dreg:$0x3] =	wrdreg $0x9  }
0xb0: {  	_ =	task.clear_ibuf [dreg:s6], $0x4FFFF;
	_ =	strace $0x90000046  }
0xb1: {  	s29 =	simm.s32 $0x9;
	_ =	strace $0x80000048  }
0xb2: {  	_ =	swait.ge [sflag:s29], $0x1  }
0xb3: {  	[sflag:s29] =	ssyncadd.s32 $0xFFFFFFFF  }
0xb4: {  	_ =	strace $0x90000048  }
0xb5: {  	_ =	sfence  }
0xb6: {  	s30 =	sld [smem:$0x0];
	_ =	sdelay $0x2  }
0xb7: {  	s31 =	sshll.u32 s1, $0xD;
	s1 =	sshrl.u32 s1, $0x2  }
0xb8: {  	s3 =	sand.u32 $0x4000, s31;
	s1 =	sadd.s32 s1, s30  }
0xb9: {  	s0 =	sor.u32 s3, s0;
	s1 =	sshll.u32 s1, $0x11  }
0xba: {  	s0 =	sor.u32 s1, s0  }
0xbb: {  	s0 =	sadd.s32 $0x8F2B, s0  }
0xbc: {  	[sflag:s0] =	ssyncadd.remote.s32 $0x1  }
0xbd: {  	_ =	sfence.sel $0xFFFF  }
0xbe: {  	[dreg:$0x0] =	wrdreg $0xFFFFFFFF;
	(pc) =	sbr.abs _section_cstart, $3  }
0xbf: {  	[dreg:$0x1] =	wrdreg $0xFFFFFFFF  }
0xc0: {  	_ =	task.clear_ibuf [dreg:s6], $0x2FFFF;
	_ =	strace $0x9FFFFFFF  }
0xc1: {  	(tm) =	ssettm $0x7FFFFFFF  }
tec
execute0_lowered:
.L_overlay_start_1:
0x0: {  	(tag) =	ssettag $0x1  }
0x1: {  	s1 =	srdreg.scid  }
0x2: {  	s0 =	stileid.u32;
	s4 =	rddreg [dreg:$0x0];
	s2 =	simm.s32 $0x0  }
0x3: {  	s15 =	simm.s32 $0x19F80;
	s5 =	sand.u32 $0x1, s1;
	s3 =	sshll.u32 s0, $0x1  }
0x4: {  	s16 =	simm.s32 $0x0;
	s1 =	rddreg [dreg:$0x1];
	s3 =	sor.u32 s5, s3  }
0x5: {  	[smem:$0x7FF] =	sst s2;
	s5 =	ssub.s32 $0x2, s5;
	s6 =	smul.u32 $0x6100, s3  }
0x6: {  	s12 =	sadd.s32 $0x800, s4;
	s11 =	sadd.s32 $0x1BE00, s4;
	s7 =	sshrl.u32 s5, $0x1  }
0x7: {  	_ =	strace $0x80000047;
	s5 =	ssub.s32 s5, s7;
	s8 =	sshrl.u32 s6, $0x3  }
0x8: {  	s3 =	sadd.s32 $0x18C00, s4;
	s5 =	smax.u32 s5, $0x1;
	s13 =	sadd.s32 $0x918, s8  }
0x9: {  	s6 =	sadd.s32 s12, s8;
	s7 =	sadd.s32 s11, s8;
	s9 =	sadd.s32 $0x308, s8  }
0xa: {  	s14 =	sadd.s32 $0x610, s8;
	s4 =	sadd.s32 s11, s13;
	s8 =	sadd.s32 s12, s9  }
0xb: {  	s9 =	sadd.s32 s11, s9;
	s10 =	sadd.s32 s12, s14;
	s11 =	sadd.s32 s11, s14  }
0xc: {  	s12 =	sadd.s32 s12, s13;
	s13 =	simm.s32 $0x1;
	s14 =	simm.s32 $0x18700  }
.LBB2_1:
0xd: {  	[tilespmem:s2], [sflag:$0x1] =	stream.linear.gather [hbm4b:s3+s2], $0x18700, $0x38;
	[tilespmem:$0x1B800] =	vst v63  }
0xe: {  	_ =	swait.ge [sflag:s13], $0x18700  }
0xf: {  	[sflag:s13] =	ssyncset.done $0x0  }
0x10: {  	[sflag:s13] =	ssyncadd.s32 $0xFFFE7900  }
0x11: {  	[tilespmem:s14], [sflag:$0x1] =	stream.linear.gather [hbm4b:s6+s2], $0x1840, $0x38;
	[tilespmem:$0x1B800] =	vst v63  }
0x12: {  	_ =	swait.ge [sflag:s13], $0x1840  }
0x13: {  	[sflag:s13] =	ssyncset.done $0x0  }
0x14: {  	s17 =	simm.s32 $0x0;
	[sflag:s13] =	ssyncadd.s32 $0xFFFFE7C0  }
0x15: {  	v0 =	vld [tilespmem:s17+$0x18700];
	_ =	sdelay $0x7  }
0x16: {  	s18 =	simm.s32 $0x10;
	s19 =	simm.s32 $0x80;
	v0 =	vld.idx.msk [tilespmem:v0+s2+$0x0], $0xffff  }
.LBB2_2:
0x17: {  	p0 =	sne.s32 s19, $0x60C0;
	v1 =	vld [tilespmem:s18+$0x18700];
	_ =	sdelay $0x3  }
.Ltmp0:
0x18: {  	(pc) =	sbr.rel @p0 .LBB2_2-.Ltmp0, $2  }
0x19: {  	[tilespmem:s17+$0x19F80] =	vst v0;
	s17 =	smov.u32 s18;
	_ =	sdelay $0x2  }
0x1a: {  	s18 =	sshra.s32 s19, $0x2;
	s19 =	sadd.s32 $0x40, s19;
	v0 =	vld.idx.msk [tilespmem:v1+s2+$0x0], $0xffff  }
0x1b: {  	v1 =	vld [tilespmem:s18+$0x18700];
	_ =	sdelay $0x6  }
0x1c: {  	[tilespmem:s17+$0x19F80] =	vst v0  }
0x1d: {  	v0 =	vld.idx.msk [tilespmem:v1+s2+$0x0], $0xffff;
	_ =	sdelay $0x4  }
0x1e: {  	s31 =	simm.s32 $0x0;
	[tilespmem:s18+$0x19F80] =	vst v0  }
0x1f: {  	[hbm4b:s7+s31] =	stream.linear.scatter [tilespmem:s15], [sflag:$0x1], $0x1840, $0x38;
	[tilespmem:$0x1B800] =	vst v63  }
0x20: {  	_ =	swait.ge [sflag:s13], $0x1840  }
0x21: {  	[sflag:s13] =	ssyncset.done $0x0  }
0x22: {  	[sflag:s13] =	ssyncadd.s32 $0xFFFFE7C0  }
0x23: {  	[tilespmem:s14], [sflag:$0x1] =	stream.linear.gather [hbm4b:s8+s31], $0x1840, $0x38;
	[tilespmem:$0x1B800] =	vst v63  }
0x24: {  	_ =	swait.ge [sflag:s13], $0x1840  }
0x25: {  	[sflag:s13] =	ssyncset.done $0x0  }
0x26: {  	s17 =	simm.s32 $0x0;
	[sflag:s13] =	ssyncadd.s32 $0xFFFFE7C0  }
0x27: {  	v0 =	vld [tilespmem:s17+$0x18700];
	_ =	sdelay $0x7  }
0x28: {  	s19 =	simm.s32 $0x80;
	s18 =	simm.s32 $0x10;
	v0 =	vld.idx.msk [tilespmem:v0+s2+$0x0], $0xffff  }
.LBB2_4:
0x29: {  	p0 =	sne.s32 s19, $0x60C0;
	v1 =	vld [tilespmem:s18+$0x18700];
	_ =	sdelay $0x3  }
.Ltmp1:
0x2a: {  	(pc) =	sbr.rel @p0 .LBB2_4-.Ltmp1, $2  }
0x2b: {  	[tilespmem:s17+$0x19F80] =	vst v0;
	s17 =	smov.u32 s18;
	_ =	sdelay $0x2  }
0x2c: {  	s18 =	sshra.s32 s19, $0x2;
	s19 =	sadd.s32 $0x40, s19;
	v0 =	vld.idx.msk [tilespmem:v1+s2+$0x0], $0xffff  }
0x2d: {  	v1 =	vld [tilespmem:s18+$0x18700];
	_ =	sdelay $0x6  }
0x2e: {  	[tilespmem:s17+$0x19F80] =	vst v0  }
0x2f: {  	v0 =	vld.idx.msk [tilespmem:v1+s2+$0x0], $0xffff;
	_ =	sdelay $0x4  }
0x30: {  	s31 =	simm.s32 $0x0;
	[tilespmem:s18+$0x19F80] =	vst v0  }
0x31: {  	[hbm4b:s9+s31] =	stream.linear.scatter [tilespmem:s15], [sflag:$0x1], $0x1840, $0x38;
	[tilespmem:$0x1B800] =	vst v63  }
0x32: {  	_ =	swait.ge [sflag:s13], $0x1840  }
0x33: {  	[sflag:s13] =	ssyncset.done $0x0  }
0x34: {  	[sflag:s13] =	ssyncadd.s32 $0xFFFFE7C0  }
0x35: {  	[tilespmem:s14], [sflag:$0x1] =	stream.linear.gather [hbm4b:s10+s31], $0x1840, $0x38;
	[tilespmem:$0x1B800] =	vst v63  }
0x36: {  	_ =	swait.ge [sflag:s13], $0x1840  }
0x37: {  	[sflag:s13] =	ssyncset.done $0x0  }
0x38: {  	s17 =	simm.s32 $0x0;
	[sflag:s13] =	ssyncadd.s32 $0xFFFFE7C0  }
0x39: {  	v0 =	vld [tilespmem:s17+$0x18700];
	_ =	sdelay $0x7  }
0x3a: {  	s19 =	simm.s32 $0x80;
	s18 =	simm.s32 $0x10;
	v0 =	vld.idx.msk [tilespmem:v0+s2+$0x0], $0xffff  }
.LBB2_6:
0x3b: {  	p0 =	sne.s32 s19, $0x60C0;
	v1 =	vld [tilespmem:s18+$0x18700];
	_ =	sdelay $0x3  }
.Ltmp2:
0x3c: {  	(pc) =	sbr.rel @p0 .LBB2_6-.Ltmp2, $2  }
0x3d: {  	[tilespmem:s17+$0x19F80] =	vst v0;
	s17 =	smov.u32 s18;
	_ =	sdelay $0x2  }
0x3e: {  	s18 =	sshra.s32 s19, $0x2;
	s19 =	sadd.s32 $0x40, s19;
	v0 =	vld.idx.msk [tilespmem:v1+s2+$0x0], $0xffff  }
0x3f: {  	v1 =	vld [tilespmem:s18+$0x18700];
	_ =	sdelay $0x6  }
0x40: {  	[tilespmem:s17+$0x19F80] =	vst v0  }
0x41: {  	v0 =	vld.idx.msk [tilespmem:v1+s2+$0x0], $0xffff;
	_ =	sdelay $0x4  }
0x42: {  	s31 =	simm.s32 $0x0;
	[tilespmem:s18+$0x19F80] =	vst v0  }
0x43: {  	[hbm4b:s11+s31] =	stream.linear.scatter [tilespmem:s15], [sflag:$0x1], $0x1840, $0x38;
	[tilespmem:$0x1B800] =	vst v63  }
0x44: {  	_ =	swait.ge [sflag:s13], $0x1840  }
0x45: {  	[sflag:s13] =	ssyncset.done $0x0  }
0x46: {  	[sflag:s13] =	ssyncadd.s32 $0xFFFFE7C0  }
0x47: {  	[tilespmem:s14], [sflag:$0x1] =	stream.linear.gather [hbm4b:s12+s31], $0x1840, $0x38;
	[tilespmem:$0x1B800] =	vst v63  }
0x48: {  	_ =	swait.ge [sflag:s13], $0x1840  }
0x49: {  	[sflag:s13] =	ssyncset.done $0x0  }
0x4a: {  	s17 =	simm.s32 $0x0;
	[sflag:s13] =	ssyncadd.s32 $0xFFFFE7C0  }
0x4b: {  	v0 =	vld [tilespmem:s17+$0x18700];
	_ =	sdelay $0x7  }
0x4c: {  	s19 =	simm.s32 $0x80;
	s18 =	simm.s32 $0x10;
	v0 =	vld.idx.msk [tilespmem:v0+s2+$0x0], $0xffff  }
.LBB2_8:
0x4d: {  	p0 =	sne.s32 s19, $0x60C0;
	v1 =	vld [tilespmem:s18+$0x18700];
	_ =	sdelay $0x3  }
.Ltmp3:
0x4e: {  	(pc) =	sbr.rel @p0 .LBB2_8-.Ltmp3, $2  }
0x4f: {  	[tilespmem:s17+$0x19F80] =	vst v0;
	s17 =	smov.u32 s18;
	_ =	sdelay $0x2  }
0x50: {  	s18 =	sshra.s32 s19, $0x2;
	s19 =	sadd.s32 $0x40, s19;
	v0 =	vld.idx.msk [tilespmem:v1+s2+$0x0], $0xffff  }
0x51: {  	v1 =	vld [tilespmem:s18+$0x18700];
	_ =	sdelay $0x6  }
0x52: {  	[tilespmem:s17+$0x19F80] =	vst v0  }
0x53: {  	v0 =	vld.idx.msk [tilespmem:v1+s2+$0x0], $0xffff;
	_ =	sdelay $0x2  }
0x54: {  	s16 =	sadd.s32 $0x1, s16  }
0x55: {  	p0 =	sne.s32 s16, s5  }
.Ltmp4:
0x56: {  	[tilespmem:s18+$0x19F80] =	vst v0;
	(pc) =	sbr.rel @p0 .LBB2_1-.Ltmp4, $4  }
0x57: {  	[hbm4b:s4+s2] =	stream.linear.scatter [tilespmem:s15], [sflag:$0x1], $0x1840, $0x38;
	[tilespmem:$0x1B800] =	vst v63  }
0x58: {  	_ =	swait.ge [sflag:s13], $0x1840  }
0x59: {  	[sflag:s13] =	ssyncset.done $0x0  }
0x5a: {  	[sflag:s13] =	ssyncadd.s32 $0xFFFFE7C0  }
0x5b: {  	_ =	sfence.sel $0x180000  }
0x5c: {  	[bflag:$0x0] =	sbarrier.arrive $0xFFFF  }
0x5d: {  	p0 =	sne.s32 s0, $0x0;
	_ =	strace $0x90000047  }
0x5e: {  	s0 =	sadd.s32 @!p0 $0x100000, s1;
	[bflag:$0x2] =	sbarrier.arrive $0xFFFF  }
0x5f: {  	[sflag:s0] =	ssyncadd.tile.s32 @!p0 $0x1;
	_ =	shalt  }
.Lfunc_end2:
_tile_overlayer_lowered:
.L_overlay_start_2:
0x60: {  	(tag) =	ssettag $0x2  }
0x61: {  	s0 =	rddreg [dreg:$0x0];
	s2 =	stileid.u32  }
0x62: {  	s1 =	rddreg [dreg:$0x1];
	p0 =	sne.s32 s2, $0x0  }
0x63: {  	s3 =	rddreg [dreg:$0x2];
	[bflag:$0x3] =	sbarrier.arrive $0xFFFF;
	s2 =	simm.s32 @!p0 $0x1C01  }
0x64: {  	[timem:s3], [sflag:s2] =	dma.local @!p0 [hbm:s0], s1  }
0x65: {  	s0 =	simm.s32 @!p0 $0x1  }
0x66: {  	_ =	swait.ge @!p0 [sflag:s0], s1  }
0x67: {  	s1 =	ssub.s32 @!p0 $0x0, s1;
	[sflag:s0] =	ssyncset.done @!p0 $0x0  }
0x68: {  	[sflag:s0] =	ssyncadd.s32 @!p0 s1  }
0x69: {  	[bflag:$0x3] =	sbarrier.arrive $0xFFFF  }
0x6a: {  	_ =	shalt  }

</sc_bundles>
